<compile_context>
chip_gen: v7x
topology: tpu7x:2x2x1
jax: 0.10.2.dev20260603
libtpu: 0.0.44.dev20260713+nightly
codegen_flags: <defaults>
</compile_context>

<pallas_src>
import functools

import jax
import jax.numpy as jnp
import numpy as np
from jax import lax
from jax.experimental import pallas as pl
from jax.experimental.pallas import tpu as pltpu
from jax.experimental.pallas import tpu_sc as plsc

_NUM_PLAYERS = 100000
_BATCH = 16384
_S = float(np.log(10.0) / 800.0)

_NC = 2
_NS = 16
_L = 16
_NW = _NC * _NS
_MPW = _BATCH // _NW
_CH = 128
_NCH = _MPW // _CH


@functools.partial(
    pl.kernel,
    out_type=(
        jax.ShapeDtypeStruct((_BATCH,), jnp.float32),
        jax.ShapeDtypeStruct((_BATCH,), jnp.float32),
    ),
    mesh=plsc.VectorSubcoreMesh(core_axis_name="c", subcore_axis_name="s"),
    compiler_params=pltpu.CompilerParams(needs_layout_passes=False),
    scratch_types=[
        pltpu.VMEM((_NCH, _CH), jnp.int32),
        pltpu.VMEM((_NCH, _CH), jnp.int32),
        pltpu.VMEM((_MPW,), jnp.float32),
        pltpu.VMEM((_MPW,), jnp.float32),
        pltpu.VMEM((1,), jnp.float32),
        pltpu.VMEM((_MPW,), jnp.float32),
        pltpu.VMEM((_MPW,), jnp.float32),
        pltpu.SemaphoreType.DMA,
        pltpu.SemaphoreType.DMA,
        pltpu.SemaphoreType.DMA,
        pltpu.SemaphoreType.DMA,
        pltpu.SemaphoreType.DMA,
        pltpu.SemaphoreType.DMA,
        pltpu.SemaphoreType.DMA,
        pltpu.SemaphoreType.DMA,
    ],
)
def _elo_sc(x_hbm, ratings_hbm, b_hbm, p1_hbm, p2_hbm,
            idx1_v, idx2_v, g1_v, g2_v, b_sm, p1_v, p2_v,
            sem_i1, sem_i2, sem_kb, sem_c0, sem_c1, sem_c2, sem_c3, sem_o):
    wid = lax.axis_index("s") * _NC + lax.axis_index("c")
    base = wid * _MPW
    sem_c = [sem_c0, sem_c1, sem_c2, sem_c3]

    ci1 = pltpu.async_copy(x_hbm.at[pl.ds(_NCH * wid, _NCH)], idx1_v, sem_i1)
    ci2 = pltpu.async_copy(
        x_hbm.at[pl.ds(_BATCH // _CH + _NCH * wid, _NCH)], idx2_v, sem_i2)
    cb = pltpu.async_copy(b_hbm, b_sm, sem_kb)

    g1c, g2c = [], []
    ci1.wait()
    for j in range(_NCH):
        g1c.append(pltpu.async_copy(
            ratings_hbm.at[idx1_v.at[j]], g1_v.at[pl.ds(j * _CH, _CH)], sem_c[j]))
    ci2.wait()
    for j in range(_NCH):
        g2c.append(pltpu.async_copy(
            ratings_hbm.at[idx2_v.at[j]], g2_v.at[pl.ds(j * _CH, _CH)], sem_c[j]))

    cb.wait()
    zeros = jnp.zeros((_L,), jnp.int32)
    bvec = plsc.load_gather(b_sm, [zeros])

    outs = []
    for j in range(_NCH):
        g1c[j].wait()
        g2c[j].wait()
        for t in range(_CH // _L):
            o = j * _CH + t * _L
            r1 = g1_v[pl.ds(o, _L)]
            r2 = g2_v[pl.ds(o, _L)]
            p1 = _S * (r1 - r2) + bvec
            p1_v[pl.ds(o, _L)] = p1
            p2_v[pl.ds(o, _L)] = -p1
        outs.append(pltpu.async_copy(
            p1_v.at[pl.ds(j * _CH, _CH)],
            p1_hbm.at[pl.ds(base + j * _CH, _CH)], sem_o))
        outs.append(pltpu.async_copy(
            p2_v.at[pl.ds(j * _CH, _CH)],
            p2_hbm.at[pl.ds(base + j * _CH, _CH)], sem_o))

    for c in outs:
        c.wait()


def kernel(x, ratings, k, b):
    xr = x.astype(jnp.int32).reshape(2 * _BATCH // _CH, _CH)
    b1 = b.astype(jnp.float32).reshape(1)
    p1, p2 = _elo_sc(xr, ratings, b1)
    dr = jnp.zeros_like(p1) + k.astype(jnp.float32)
    return jnp.stack([p1, dr, p2], axis=1)

# --- scband reference (transcript-rebuilt; emitter-appended) ---
"""Pipeline reference for scband-elo-rating-model-6828998001609 (READ-ONLY COPY).

The authoritative reference and input builder live on the scoring server;
editing this copy changes nothing except your own understanding.
"""

import jax, jax.numpy as jnp
import numpy as np

NUM_PLAYERS = 100000
BATCH = 16384


def setup_inputs(seed: int = 0) -> dict:
    key = jax.random.key(seed)
    x = jax.random.randint(key, (2, BATCH), 0, NUM_PLAYERS, dtype=jnp.int64) if jax.config.jax_enable_x64 else jax.random.randint(key, (2, BATCH), 0, NUM_PLAYERS)
    ratings = jnp.full((NUM_PLAYERS,), 1000.0, dtype=jnp.float32)
    k = jnp.array(0.0, dtype=jnp.float32)
    b = jnp.array(0.0, dtype=jnp.float32)
    return {"x": x, "ratings": ratings, "k": k, "b": b}


def reference(x, ratings, k, b):
    s = np.log(10.0) / 800.0
    r1 = jnp.take(ratings, x[0], axis=0)
    r2 = jnp.take(ratings, x[1], axis=0)
    p1_win = s * (r1 - r2) + b
    p2_win = s * (r2 - r1) - b
    draw = jnp.zeros_like(p1_win) + k
    return jnp.stack([p1_win, draw, p2_win], axis=1)

if __name__ == "__main__":
    import jax
    _d = setup_inputs()
    print(jax.jit(kernel)(*tuple(_d.values())))

</pallas_src>

<mosaic_0001>
#map = affine_map<(d0, d1) -> (0, 0)>
#map1 = affine_map<(d0, d1) -> (0)>
module attributes {stable_mosaic.version = 14 : i64} {
  func.func @_elo_sc(%arg0: i32, %arg1: i32, %arg2: memref<256x128xi32, #tpu.memory_space<hbm>>, %arg3: memref<100000xf32, #tpu.memory_space<hbm>>, %arg4: memref<1xf32, #tpu.memory_space<hbm>>, %arg5: memref<16384xf32, #tpu.memory_space<hbm>>, %arg6: memref<16384xf32, #tpu.memory_space<hbm>>, %arg7: memref<4x128xi32, #tpu.memory_space<vmem>>, %arg8: memref<4x128xi32, #tpu.memory_space<vmem>>, %arg9: memref<512xf32, #tpu.memory_space<vmem>>, %arg10: memref<512xf32, #tpu.memory_space<vmem>>, %arg11: memref<1xf32, #tpu.memory_space<vmem>>, %arg12: memref<512xf32, #tpu.memory_space<vmem>>, %arg13: memref<512xf32, #tpu.memory_space<vmem>>, %arg14: memref<!tpu.dma_semaphore, #tpu.memory_space<semaphore_mem>>, %arg15: memref<!tpu.dma_semaphore, #tpu.memory_space<semaphore_mem>>, %arg16: memref<!tpu.dma_semaphore, #tpu.memory_space<semaphore_mem>>, %arg17: memref<!tpu.dma_semaphore, #tpu.memory_space<semaphore_mem>>, %arg18: memref<!tpu.dma_semaphore, #tpu.memory_space<semaphore_mem>>, %arg19: memref<!tpu.dma_semaphore, #tpu.memory_space<semaphore_mem>>, %arg20: memref<!tpu.dma_semaphore, #tpu.memory_space<semaphore_mem>>, %arg21: memref<!tpu.dma_semaphore, #tpu.memory_space<semaphore_mem>>) attributes {dimension_semantics = [#tpu.dimension_semantics<core_parallel>, #tpu.dimension_semantics<subcore_parallel>], iteration_bounds = array<i64: 2, 16>, scalar_prefetch = 0 : i64, scratch_operands = 15 : i64, tpu.core_type = #tpu.core_type<sc_vector_subcore>, window_params = [{transform_indices = #map}, {transform_indices = #map1}, {transform_indices = #map1}, {transform_indices = #map1}, {transform_indices = #map1}]} {
    %mul3A = arith.constant 2 : i32
    %mul3A_0 = arith.muli %arg1, %mul3A : i32
    %add3A = arith.addi %mul3A_0, %arg0 : i32
    %mul3A_1 = arith.constant 512 : i32
    %mul3A_2 = arith.muli %add3A, %mul3A_1 : i32
    %mul3A_3 = arith.constant 4 : i32
    %mul3A_4 = arith.muli %mul3A_3, %add3A : i32
    %dma_start3A = arith.constant 0 : i32
    %dma_start3A_5 = tpu.memref_slice %arg2[%mul3A_4, %dma_start3A] : memref<256x128xi32, #tpu.memory_space<hbm>> -> memref<4x128xi32, #tpu.memory_space<hbm>>
    %dma_start3A_6 = arith.constant 0 : i32
    %dma_start3A_7 = tpu.memref_slice %arg2[%mul3A_4, %dma_start3A_6] : memref<256x128xi32, #tpu.memory_space<hbm>> -> memref<4x128xi32, #tpu.memory_space<hbm>>
    tpu.enqueue_dma source(%dma_start3A_7 : memref<4x128xi32, #tpu.memory_space<hbm>>) target(%arg7 : memref<4x128xi32, #tpu.memory_space<vmem>>) target_semaphore(%arg14 : memref<!tpu.dma_semaphore, #tpu.memory_space<semaphore_mem>>)
    %mul3A_8 = arith.constant 4 : i32
    %mul3A_9 = arith.muli %mul3A_8, %add3A : i32
    %add3A_10 = arith.constant 128 : i32
    %add3A_11 = arith.addi %add3A_10, %mul3A_9 : i32
    %dma_start3A_12 = arith.constant 0 : i32
    %dma_start3A_13 = tpu.memref_slice %arg2[%add3A_11, %dma_start3A_12] : memref<256x128xi32, #tpu.memory_space<hbm>> -> memref<4x128xi32, #tpu.memory_space<hbm>>
    %dma_start3A_14 = arith.constant 0 : i32
    %dma_start3A_15 = tpu.memref_slice %arg2[%add3A_11, %dma_start3A_14] : memref<256x128xi32, #tpu.memory_space<hbm>> -> memref<4x128xi32, #tpu.memory_space<hbm>>
    tpu.enqueue_dma source(%dma_start3A_15 : memref<4x128xi32, #tpu.memory_space<hbm>>) target(%arg8 : memref<4x128xi32, #tpu.memory_space<vmem>>) target_semaphore(%arg15 : memref<!tpu.dma_semaphore, #tpu.memory_space<semaphore_mem>>)
    tpu.enqueue_dma source(%arg4 : memref<1xf32, #tpu.memory_space<hbm>>) target(%arg11 : memref<1xf32, #tpu.memory_space<vmem>>) target_semaphore(%arg16 : memref<!tpu.dma_semaphore, #tpu.memory_space<semaphore_mem>>)
    %dma_wait3A = arith.constant 0 : i32
    %dma_wait3A_16 = tpu.memref_slice %arg2[%mul3A_4, %dma_wait3A] : memref<256x128xi32, #tpu.memory_space<hbm>> -> memref<4x128xi32, #tpu.memory_space<hbm>>
    %dma_wait3A_17 = arith.constant 0 : i32
    %dma_wait3A_18 = tpu.memref_slice %arg2[%mul3A_4, %dma_wait3A_17] : memref<256x128xi32, #tpu.memory_space<hbm>> -> memref<4x128xi32, #tpu.memory_space<hbm>>
    tpu.wait_dma2 semaphore(%arg14 : memref<!tpu.dma_semaphore, #tpu.memory_space<semaphore_mem>>) src(%dma_wait3A_18 : memref<4x128xi32, #tpu.memory_space<hbm>>) dst(%arg7 : memref<4x128xi32, #tpu.memory_space<vmem>>)
    %dma_start3A_19 = arith.constant 0 : i32
    %dma_start3A_20 = arith.constant 0 : i32
    %dma_start3A_21 = tpu.memref_slice %arg9[%dma_start3A_20] : memref<512xf32, #tpu.memory_space<vmem>> -> memref<128xf32, #tpu.memory_space<vmem>>
    %dma_start3A_22 = arith.constant 0 : i32
    %dma_start3A_23 = tpu.memref_slice %arg7[%dma_start3A_19, %dma_start3A_22] : memref<4x128xi32, #tpu.memory_space<vmem>> -> memref<1x128xi32, #tpu.memory_space<vmem>>
    %dma_start3A_24 = tpu.memref_squeeze %dma_start3A_23 : memref<1x128xi32, #tpu.memory_space<vmem>> -> memref<128xi32, #tpu.memory_space<vmem>>
    %dma_start3A_25 = arith.constant 0 : i32
    %dma_start3A_26 = tpu.memref_slice %arg3[%dma_start3A_25] : memref<100000xf32, #tpu.memory_space<hbm>> -> memref<100000xf32, #tpu.memory_space<hbm>>
    tpu.enqueue_indirect_dma source(%dma_start3A_26 : memref<100000xf32, #tpu.memory_space<hbm>>) target(%dma_start3A_21 : memref<128xf32, #tpu.memory_space<vmem>>) offsets(%dma_start3A_24 : memref<128xi32, #tpu.memory_space<vmem>>) semaphore(%arg17 : memref<!tpu.dma_semaphore, #tpu.memory_space<semaphore_mem>>)
    %dma_start3A_27 = arith.constant 1 : i32
    %dma_start3A_28 = arith.constant 128 : i32
    %dma_start3A_29 = tpu.memref_slice %arg9[%dma_start3A_28] : memref<512xf32, #tpu.memory_space<vmem>> -> memref<128xf32, #tpu.memory_space<vmem>>
    %dma_start3A_30 = arith.constant 0 : i32
    %dma_start3A_31 = tpu.memref_slice %arg7[%dma_start3A_27, %dma_start3A_30] : memref<4x128xi32, #tpu.memory_space<vmem>> -> memref<1x128xi32, #tpu.memory_space<vmem>>
    %dma_start3A_32 = tpu.memref_squeeze %dma_start3A_31 : memref<1x128xi32, #tpu.memory_space<vmem>> -> memref<128xi32, #tpu.memory_space<vmem>>
    %dma_start3A_33 = arith.constant 0 : i32
    %dma_start3A_34 = tpu.memref_slice %arg3[%dma_start3A_33] : memref<100000xf32, #tpu.memory_space<hbm>> -> memref<100000xf32, #tpu.memory_space<hbm>>
    tpu.enqueue_indirect_dma source(%dma_start3A_34 : memref<100000xf32, #tpu.memory_space<hbm>>) target(%dma_start3A_29 : memref<128xf32, #tpu.memory_space<vmem>>) offsets(%dma_start3A_32 : memref<128xi32, #tpu.memory_space<vmem>>) semaphore(%arg18 : memref<!tpu.dma_semaphore, #tpu.memory_space<semaphore_mem>>)
    %dma_start3A_35 = arith.constant 2 : i32
    %dma_start3A_36 = arith.constant 256 : i32
    %dma_start3A_37 = tpu.memref_slice %arg9[%dma_start3A_36] : memref<512xf32, #tpu.memory_space<vmem>> -> memref<128xf32, #tpu.memory_space<vmem>>
    %dma_start3A_38 = arith.constant 0 : i32
    %dma_start3A_39 = tpu.memref_slice %arg7[%dma_start3A_35, %dma_start3A_38] : memref<4x128xi32, #tpu.memory_space<vmem>> -> memref<1x128xi32, #tpu.memory_space<vmem>>
    %dma_start3A_40 = tpu.memref_squeeze %dma_start3A_39 : memref<1x128xi32, #tpu.memory_space<vmem>> -> memref<128xi32, #tpu.memory_space<vmem>>
    %dma_start3A_41 = arith.constant 0 : i32
    %dma_start3A_42 = tpu.memref_slice %arg3[%dma_start3A_41] : memref<100000xf32, #tpu.memory_space<hbm>> -> memref<100000xf32, #tpu.memory_space<hbm>>
    tpu.enqueue_indirect_dma source(%dma_start3A_42 : memref<100000xf32, #tpu.memory_space<hbm>>) target(%dma_start3A_37 : memref<128xf32, #tpu.memory_space<vmem>>) offsets(%dma_start3A_40 : memref<128xi32, #tpu.memory_space<vmem>>) semaphore(%arg19 : memref<!tpu.dma_semaphore, #tpu.memory_space<semaphore_mem>>)
    %dma_start3A_43 = arith.constant 3 : i32
    %dma_start3A_44 = arith.constant 384 : i32
    %dma_start3A_45 = tpu.memref_slice %arg9[%dma_start3A_44] : memref<512xf32, #tpu.memory_space<vmem>> -> memref<128xf32, #tpu.memory_space<vmem>>
    %dma_start3A_46 = arith.constant 0 : i32
    %dma_start3A_47 = tpu.memref_slice %arg7[%dma_start3A_43, %dma_start3A_46] : memref<4x128xi32, #tpu.memory_space<vmem>> -> memref<1x128xi32, #tpu.memory_space<vmem>>
    %dma_start3A_48 = tpu.memref_squeeze %dma_start3A_47 : memref<1x128xi32, #tpu.memory_space<vmem>> -> memref<128xi32, #tpu.memory_space<vmem>>
    %dma_start3A_49 = arith.constant 0 : i32
    %dma_start3A_50 = tpu.memref_slice %arg3[%dma_start3A_49] : memref<100000xf32, #tpu.memory_space<hbm>> -> memref<100000xf32, #tpu.memory_space<hbm>>
    tpu.enqueue_indirect_dma source(%dma_start3A_50 : memref<100000xf32, #tpu.memory_space<hbm>>) target(%dma_start3A_45 : memref<128xf32, #tpu.memory_space<vmem>>) offsets(%dma_start3A_48 : memref<128xi32, #tpu.memory_space<vmem>>) semaphore(%arg20 : memref<!tpu.dma_semaphore, #tpu.memory_space<semaphore_mem>>)
    %dma_wait3A_51 = arith.constant 0 : i32
    %dma_wait3A_52 = tpu.memref_slice %arg2[%add3A_11, %dma_wait3A_51] : memref<256x128xi32, #tpu.memory_space<hbm>> -> memref<4x128xi32, #tpu.memory_space<hbm>>
    %dma_wait3A_53 = arith.constant 0 : i32
    %dma_wait3A_54 = tpu.memref_slice %arg2[%add3A_11, %dma_wait3A_53] : memref<256x128xi32, #tpu.memory_space<hbm>> -> memref<4x128xi32, #tpu.memory_space<hbm>>
    tpu.wait_dma2 semaphore(%arg15 : memref<!tpu.dma_semaphore, #tpu.memory_space<semaphore_mem>>) src(%dma_wait3A_54 : memref<4x128xi32, #tpu.memory_space<hbm>>) dst(%arg8 : memref<4x128xi32, #tpu.memory_space<vmem>>)
    %dma_start3A_55 = arith.constant 0 : i32
    %dma_start3A_56 = arith.constant 0 : i32
    %dma_start3A_57 = tpu.memref_slice %arg10[%dma_start3A_56] : memref<512xf32, #tpu.memory_space<vmem>> -> memref<128xf32, #tpu.memory_space<vmem>>
    %dma_start3A_58 = arith.constant 0 : i32
    %dma_start3A_59 = tpu.memref_slice %arg8[%dma_start3A_55, %dma_start3A_58] : memref<4x128xi32, #tpu.memory_space<vmem>> -> memref<1x128xi32, #tpu.memory_space<vmem>>
    %dma_start3A_60 = tpu.memref_squeeze %dma_start3A_59 : memref<1x128xi32, #tpu.memory_space<vmem>> -> memref<128xi32, #tpu.memory_space<vmem>>
    %dma_start3A_61 = arith.constant 0 : i32
    %dma_start3A_62 = tpu.memref_slice %arg3[%dma_start3A_61] : memref<100000xf32, #tpu.memory_space<hbm>> -> memref<100000xf32, #tpu.memory_space<hbm>>
    tpu.enqueue_indirect_dma source(%dma_start3A_62 : memref<100000xf32, #tpu.memory_space<hbm>>) target(%dma_start3A_57 : memref<128xf32, #tpu.memory_space<vmem>>) offsets(%dma_start3A_60 : memref<128xi32, #tpu.memory_space<vmem>>) semaphore(%arg17 : memref<!tpu.dma_semaphore, #tpu.memory_space<semaphore_mem>>)
    %dma_start3A_63 = arith.constant 1 : i32
    %dma_start3A_64 = arith.constant 128 : i32
    %dma_start3A_65 = tpu.memref_slice %arg10[%dma_start3A_64] : memref<512xf32, #tpu.memory_space<vmem>> -> memref<128xf32, #tpu.memory_space<vmem>>
    %dma_start3A_66 = arith.constant 0 : i32
    %dma_start3A_67 = tpu.memref_slice %arg8[%dma_start3A_63, %dma_start3A_66] : memref<4x128xi32, #tpu.memory_space<vmem>> -> memref<1x128xi32, #tpu.memory_space<vmem>>
    %dma_start3A_68 = tpu.memref_squeeze %dma_start3A_67 : memref<1x128xi32, #tpu.memory_space<vmem>> -> memref<128xi32, #tpu.memory_space<vmem>>
    %dma_start3A_69 = arith.constant 0 : i32
    %dma_start3A_70 = tpu.memref_slice %arg3[%dma_start3A_69] : memref<100000xf32, #tpu.memory_space<hbm>> -> memref<100000xf32, #tpu.memory_space<hbm>>
    tpu.enqueue_indirect_dma source(%dma_start3A_70 : memref<100000xf32, #tpu.memory_space<hbm>>) target(%dma_start3A_65 : memref<128xf32, #tpu.memory_space<vmem>>) offsets(%dma_start3A_68 : memref<128xi32, #tpu.memory_space<vmem>>) semaphore(%arg18 : memref<!tpu.dma_semaphore, #tpu.memory_space<semaphore_mem>>)
    %dma_start3A_71 = arith.constant 2 : i32
    %dma_start3A_72 = arith.constant 256 : i32
    %dma_start3A_73 = tpu.memref_slice %arg10[%dma_start3A_72] : memref<512xf32, #tpu.memory_space<vmem>> -> memref<128xf32, #tpu.memory_space<vmem>>
    %dma_start3A_74 = arith.constant 0 : i32
    %dma_start3A_75 = tpu.memref_slice %arg8[%dma_start3A_71, %dma_start3A_74] : memref<4x128xi32, #tpu.memory_space<vmem>> -> memref<1x128xi32, #tpu.memory_space<vmem>>
    %dma_start3A_76 = tpu.memref_squeeze %dma_start3A_75 : memref<1x128xi32, #tpu.memory_space<vmem>> -> memref<128xi32, #tpu.memory_space<vmem>>
    %dma_start3A_77 = arith.constant 0 : i32
    %dma_start3A_78 = tpu.memref_slice %arg3[%dma_start3A_77] : memref<100000xf32, #tpu.memory_space<hbm>> -> memref<100000xf32, #tpu.memory_space<hbm>>
    tpu.enqueue_indirect_dma source(%dma_start3A_78 : memref<100000xf32, #tpu.memory_space<hbm>>) target(%dma_start3A_73 : memref<128xf32, #tpu.memory_space<vmem>>) offsets(%dma_start3A_76 : memref<128xi32, #tpu.memory_space<vmem>>) semaphore(%arg19 : memref<!tpu.dma_semaphore, #tpu.memory_space<semaphore_mem>>)
    %dma_start3A_79 = arith.constant 3 : i32
    %dma_start3A_80 = arith.constant 384 : i32
    %dma_start3A_81 = tpu.memref_slice %arg10[%dma_start3A_80] : memref<512xf32, #tpu.memory_space<vmem>> -> memref<128xf32, #tpu.memory_space<vmem>>
    %dma_start3A_82 = arith.constant 0 : i32
    %dma_start3A_83 = tpu.memref_slice %arg8[%dma_start3A_79, %dma_start3A_82] : memref<4x128xi32, #tpu.memory_space<vmem>> -> memref<1x128xi32, #tpu.memory_space<vmem>>
    %dma_start3A_84 = tpu.memref_squeeze %dma_start3A_83 : memref<1x128xi32, #tpu.memory_space<vmem>> -> memref<128xi32, #tpu.memory_space<vmem>>
    %dma_start3A_85 = arith.constant 0 : i32
    %dma_start3A_86 = tpu.memref_slice %arg3[%dma_start3A_85] : memref<100000xf32, #tpu.memory_space<hbm>> -> memref<100000xf32, #tpu.memory_space<hbm>>
    tpu.enqueue_indirect_dma source(%dma_start3A_86 : memref<100000xf32, #tpu.memory_space<hbm>>) target(%dma_start3A_81 : memref<128xf32, #tpu.memory_space<vmem>>) offsets(%dma_start3A_84 : memref<128xi32, #tpu.memory_space<vmem>>) semaphore(%arg20 : memref<!tpu.dma_semaphore, #tpu.memory_space<semaphore_mem>>)
    tpu.wait_dma2 semaphore(%arg16 : memref<!tpu.dma_semaphore, #tpu.memory_space<semaphore_mem>>) src(%arg4 : memref<1xf32, #tpu.memory_space<hbm>>) dst(%arg11 : memref<1xf32, #tpu.memory_space<vmem>>)
    %broadcast_in_dim3A = arith.constant 0 : i32
    %broadcast_in_dim3A_87 = vector.broadcast %broadcast_in_dim3A : i32 to vector<16xi32>
    %gather3A = tpu.vector_load_idx %arg11[%broadcast_in_dim3A_87] : memref<1xf32, #tpu.memory_space<vmem>>[vector<16xi32>], vector<16xf32>,
    %dma_wait3A_88 = arith.constant 0 : i32
    %dma_wait3A_89 = arith.constant 0 : i32
    %dma_wait3A_90 = tpu.memref_slice %arg9[%dma_wait3A_89] : memref<512xf32, #tpu.memory_space<vmem>> -> memref<128xf32, #tpu.memory_space<vmem>>
    %dma_wait3A_91 = arith.constant 0 : i32
    %dma_wait3A_92 = tpu.memref_slice %arg7[%dma_wait3A_88, %dma_wait3A_91] : memref<4x128xi32, #tpu.memory_space<vmem>> -> memref<1x128xi32, #tpu.memory_space<vmem>>
    %dma_wait3A_93 = tpu.memref_squeeze %dma_wait3A_92 : memref<1x128xi32, #tpu.memory_space<vmem>> -> memref<128xi32, #tpu.memory_space<vmem>>
    %dma_wait3A_94 = arith.constant 0 : i32
    %dma_wait3A_95 = tpu.memref_slice %arg3[%dma_wait3A_94] : memref<100000xf32, #tpu.memory_space<hbm>> -> memref<100000xf32, #tpu.memory_space<hbm>>
    tpu.wait_indirect_dma semaphore(%arg17 : memref<!tpu.dma_semaphore, #tpu.memory_space<semaphore_mem>>) src(%dma_wait3A_95 : memref<100000xf32, #tpu.memory_space<hbm>>) dst(%dma_wait3A_90 : memref<128xf32, #tpu.memory_space<vmem>>)
    %dma_wait3A_96 = arith.constant 0 : i32
    %dma_wait3A_97 = arith.constant 0 : i32
    %dma_wait3A_98 = tpu.memref_slice %arg10[%dma_wait3A_97] : memref<512xf32, #tpu.memory_space<vmem>> -> memref<128xf32, #tpu.memory_space<vmem>>
    %dma_wait3A_99 = arith.constant 0 : i32
    %dma_wait3A_100 = tpu.memref_slice %arg8[%dma_wait3A_96, %dma_wait3A_99] : memref<4x128xi32, #tpu.memory_space<vmem>> -> memref<1x128xi32, #tpu.memory_space<vmem>>
    %dma_wait3A_101 = tpu.memref_squeeze %dma_wait3A_100 : memref<1x128xi32, #tpu.memory_space<vmem>> -> memref<128xi32, #tpu.memory_space<vmem>>
    %dma_wait3A_102 = arith.constant 0 : i32
    %dma_wait3A_103 = tpu.memref_slice %arg3[%dma_wait3A_102] : memref<100000xf32, #tpu.memory_space<hbm>> -> memref<100000xf32, #tpu.memory_space<hbm>>
    tpu.wait_indirect_dma semaphore(%arg17 : memref<!tpu.dma_semaphore, #tpu.memory_space<semaphore_mem>>) src(%dma_wait3A_103 : memref<100000xf32, #tpu.memory_space<hbm>>) dst(%dma_wait3A_98 : memref<128xf32, #tpu.memory_space<vmem>>)
    %get3A = arith.constant 0 : index
    %get3A_104 = tpu.vector_load %arg9[%get3A] {strides = array<i32>} : memref<512xf32, #tpu.memory_space<vmem>>, vector<16xf32>,
    %get3A_105 = arith.constant 0 : index
    %get3A_106 = tpu.vector_load %arg10[%get3A_105] {strides = array<i32>} : memref<512xf32, #tpu.memory_space<vmem>>, vector<16xf32>,
    %sub3A = arith.subf %get3A_104, %get3A_106 : vector<16xf32>
    %mul3A_107 = arith.constant 0.00287823146 : f32
    %mul3A_108 = vector.broadcast %mul3A_107 : f32 to vector<16xf32>
    %mul3A_109 = arith.mulf %mul3A_108, %sub3A : vector<16xf32>
    %add3A_110 = arith.addf %mul3A_109, %gather3A : vector<16xf32>
    %swap3A = arith.constant 0 : index
    %swap3A_111 = tpu.vector_load %arg12[%swap3A] {strides = array<i32>} : memref<512xf32, #tpu.memory_space<vmem>>, vector<16xf32>,
    tpu.vector_store %arg12[%swap3A], %add3A_110 {strides = array<i32>} : memref<512xf32, #tpu.memory_space<vmem>>, vector<16xf32>,
    %neg3A = arith.constant 0.000000e+00 : f32
    %neg3A_112 = vector.broadcast %neg3A : f32 to vector<16xf32>
    %neg3A_113 = arith.subf %neg3A_112, %add3A_110 : vector<16xf32>
    %swap3A_114 = arith.constant 0 : index
    %swap3A_115 = tpu.vector_load %arg13[%swap3A_114] {strides = array<i32>} : memref<512xf32, #tpu.memory_space<vmem>>, vector<16xf32>,
    tpu.vector_store %arg13[%swap3A_114], %neg3A_113 {strides = array<i32>} : memref<512xf32, #tpu.memory_space<vmem>>, vector<16xf32>,
    %get3A_116 = arith.constant 16 : index
    %get3A_117 = tpu.vector_load %arg9[%get3A_116] {strides = array<i32>} : memref<512xf32, #tpu.memory_space<vmem>>, vector<16xf32>,
    %get3A_118 = arith.constant 16 : index
    %get3A_119 = tpu.vector_load %arg10[%get3A_118] {strides = array<i32>} : memref<512xf32, #tpu.memory_space<vmem>>, vector<16xf32>,
    %sub3A_120 = arith.subf %get3A_117, %get3A_119 : vector<16xf32>
    %mul3A_121 = arith.constant 0.00287823146 : f32
    %mul3A_122 = vector.broadcast %mul3A_121 : f32 to vector<16xf32>
    %mul3A_123 = arith.mulf %mul3A_122, %sub3A_120 : vector<16xf32>
    %add3A_124 = arith.addf %mul3A_123, %gather3A : vector<16xf32>
    %swap3A_125 = arith.constant 16 : index
    %swap3A_126 = tpu.vector_load %arg12[%swap3A_125] {strides = array<i32>} : memref<512xf32, #tpu.memory_space<vmem>>, vector<16xf32>,
    tpu.vector_store %arg12[%swap3A_125], %add3A_124 {strides = array<i32>} : memref<512xf32, #tpu.memory_space<vmem>>, vector<16xf32>,
    %neg3A_127 = arith.constant 0.000000e+00 : f32
    %neg3A_128 = vector.broadcast %neg3A_127 : f32 to vector<16xf32>
    %neg3A_129 = arith.subf %neg3A_128, %add3A_124 : vector<16xf32>
    %swap3A_130 = arith.constant 16 : index
    %swap3A_131 = tpu.vector_load %arg13[%swap3A_130] {strides = array<i32>} : memref<512xf32, #tpu.memory_space<vmem>>, vector<16xf32>,
    tpu.vector_store %arg13[%swap3A_130], %neg3A_129 {strides = array<i32>} : memref<512xf32, #tpu.memory_space<vmem>>, vector<16xf32>,
    %get3A_132 = arith.constant 32 : index
    %get3A_133 = tpu.vector_load %arg9[%get3A_132] {strides = array<i32>} : memref<512xf32, #tpu.memory_space<vmem>>, vector<16xf32>,
    %get3A_134 = arith.constant 32 : index
    %get3A_135 = tpu.vector_load %arg10[%get3A_134] {strides = array<i32>} : memref<512xf32, #tpu.memory_space<vmem>>, vector<16xf32>,
    %sub3A_136 = arith.subf %get3A_133, %get3A_135 : vector<16xf32>
    %mul3A_137 = arith.constant 0.00287823146 : f32
    %mul3A_138 = vector.broadcast %mul3A_137 : f32 to vector<16xf32>
    %mul3A_139 = arith.mulf %mul3A_138, %sub3A_136 : vector<16xf32>
    %add3A_140 = arith.addf %mul3A_139, %gather3A : vector<16xf32>
    %swap3A_141 = arith.constant 32 : index
    %swap3A_142 = tpu.vector_load %arg12[%swap3A_141] {strides = array<i32>} : memref<512xf32, #tpu.memory_space<vmem>>, vector<16xf32>,
    tpu.vector_store %arg12[%swap3A_141], %add3A_140 {strides = array<i32>} : memref<512xf32, #tpu.memory_space<vmem>>, vector<16xf32>,
    %neg3A_143 = arith.constant 0.000000e+00 : f32
    %neg3A_144 = vector.broadcast %neg3A_143 : f32 to vector<16xf32>
    %neg3A_145 = arith.subf %neg3A_144, %add3A_140 : vector<16xf32>
    %swap3A_146 = arith.constant 32 : index
    %swap3A_147 = tpu.vector_load %arg13[%swap3A_146] {strides = array<i32>} : memref<512xf32, #tpu.memory_space<vmem>>, vector<16xf32>,
    tpu.vector_store %arg13[%swap3A_146], %neg3A_145 {strides = array<i32>} : memref<512xf32, #tpu.memory_space<vmem>>, vector<16xf32>,
    %get3A_148 = arith.constant 48 : index
    %get3A_149 = tpu.vector_load %arg9[%get3A_148] {strides = array<i32>} : memref<512xf32, #tpu.memory_space<vmem>>, vector<16xf32>,
    %get3A_150 = arith.constant 48 : index
    %get3A_151 = tpu.vector_load %arg10[%get3A_150] {strides = array<i32>} : memref<512xf32, #tpu.memory_space<vmem>>, vector<16xf32>,
    %sub3A_152 = arith.subf %get3A_149, %get3A_151 : vector<16xf32>
    %mul3A_153 = arith.constant 0.00287823146 : f32
    %mul3A_154 = vector.broadcast %mul3A_153 : f32 to vector<16xf32>
    %mul3A_155 = arith.mulf %mul3A_154, %sub3A_152 : vector<16xf32>
    %add3A_156 = arith.addf %mul3A_155, %gather3A : vector<16xf32>
    %swap3A_157 = arith.constant 48 : index
    %swap3A_158 = tpu.vector_load %arg12[%swap3A_157] {strides = array<i32>} : memref<512xf32, #tpu.memory_space<vmem>>, vector<16xf32>,
    tpu.vector_store %arg12[%swap3A_157], %add3A_156 {strides = array<i32>} : memref<512xf32, #tpu.memory_space<vmem>>, vector<16xf32>,
    %neg3A_159 = arith.constant 0.000000e+00 : f32
    %neg3A_160 = vector.broadcast %neg3A_159 : f32 to vector<16xf32>
    %neg3A_161 = arith.subf %neg3A_160, %add3A_156 : vector<16xf32>
    %swap3A_162 = arith.constant 48 : index
    %swap3A_163 = tpu.vector_load %arg13[%swap3A_162] {strides = array<i32>} : memref<512xf32, #tpu.memory_space<vmem>>, vector<16xf32>,
    tpu.vector_store %arg13[%swap3A_162], %neg3A_161 {strides = array<i32>} : memref<512xf32, #tpu.memory_space<vmem>>, vector<16xf32>,
    %get3A_164 = arith.constant 64 : index
    %get3A_165 = tpu.vector_load %arg9[%get3A_164] {strides = array<i32>} : memref<512xf32, #tpu.memory_space<vmem>>, vector<16xf32>,
    %get3A_166 = arith.constant 64 : index
    %get3A_167 = tpu.vector_load %arg10[%get3A_166] {strides = array<i32>} : memref<512xf32, #tpu.memory_space<vmem>>, vector<16xf32>,
    %sub3A_168 = arith.subf %get3A_165, %get3A_167 : vector<16xf32>
    %mul3A_169 = arith.constant 0.00287823146 : f32
    %mul3A_170 = vector.broadcast %mul3A_169 : f32 to vector<16xf32>
    %mul3A_171 = arith.mulf %mul3A_170, %sub3A_168 : vector<16xf32>
    %add3A_172 = arith.addf %mul3A_171, %gather3A : vector<16xf32>
    %swap3A_173 = arith.constant 64 : index
    %swap3A_174 = tpu.vector_load %arg12[%swap3A_173] {strides = array<i32>} : memref<512xf32, #tpu.memory_space<vmem>>, vector<16xf32>,
    tpu.vector_store %arg12[%swap3A_173], %add3A_172 {strides = array<i32>} : memref<512xf32, #tpu.memory_space<vmem>>, vector<16xf32>,
    %neg3A_175 = arith.constant 0.000000e+00 : f32
    %neg3A_176 = vector.broadcast %neg3A_175 : f32 to vector<16xf32>
    %neg3A_177 = arith.subf %neg3A_176, %add3A_172 : vector<16xf32>
    %swap3A_178 = arith.constant 64 : index
    %swap3A_179 = tpu.vector_load %arg13[%swap3A_178] {strides = array<i32>} : memref<512xf32, #tpu.memory_space<vmem>>, vector<16xf32>,
    tpu.vector_store %arg13[%swap3A_178], %neg3A_177 {strides = array<i32>} : memref<512xf32, #tpu.memory_space<vmem>>, vector<16xf32>,
    %get3A_180 = arith.constant 80 : index
    %get3A_181 = tpu.vector_load %arg9[%get3A_180] {strides = array<i32>} : memref<512xf32, #tpu.memory_space<vmem>>, vector<16xf32>,
    %get3A_182 = arith.constant 80 : index
    %get3A_183 = tpu.vector_load %arg10[%get3A_182] {strides = array<i32>} : memref<512xf32, #tpu.memory_space<vmem>>, vector<16xf32>,
    %sub3A_184 = arith.subf %get3A_181, %get3A_183 : vector<16xf32>
    %mul3A_185 = arith.constant 0.00287823146 : f32
    %mul3A_186 = vector.broadcast %mul3A_185 : f32 to vector<16xf32>
    %mul3A_187 = arith.mulf %mul3A_186, %sub3A_184 : vector<16xf32>
    %add3A_188 = arith.addf %mul3A_187, %gather3A : vector<16xf32>
    %swap3A_189 = arith.constant 80 : index
    %swap3A_190 = tpu.vector_load %arg12[%swap3A_189] {strides = array<i32>} : memref<512xf32, #tpu.memory_space<vmem>>, vector<16xf32>,
    tpu.vector_store %arg12[%swap3A_189], %add3A_188 {strides = array<i32>} : memref<512xf32, #tpu.memory_space<vmem>>, vector<16xf32>,
    %neg3A_191 = arith.constant 0.000000e+00 : f32
    %neg3A_192 = vector.broadcast %neg3A_191 : f32 to vector<16xf32>
    %neg3A_193 = arith.subf %neg3A_192, %add3A_188 : vector<16xf32>
    %swap3A_194 = arith.constant 80 : index
    %swap3A_195 = tpu.vector_load %arg13[%swap3A_194] {strides = array<i32>} : memref<512xf32, #tpu.memory_space<vmem>>, vector<16xf32>,
    tpu.vector_store %arg13[%swap3A_194], %neg3A_193 {strides = array<i32>} : memref<512xf32, #tpu.memory_space<vmem>>, vector<16xf32>,
    %get3A_196 = arith.constant 96 : index
    %get3A_197 = tpu.vector_load %arg9[%get3A_196] {strides = array<i32>} : memref<512xf32, #tpu.memory_space<vmem>>, vector<16xf32>,
    %get3A_198 = arith.constant 96 : index
    %get3A_199 = tpu.vector_load %arg10[%get3A_198] {strides = array<i32>} : memref<512xf32, #tpu.memory_space<vmem>>, vector<16xf32>,
    %sub3A_200 = arith.subf %get3A_197, %get3A_199 : vector<16xf32>
    %mul3A_201 = arith.constant 0.00287823146 : f32
    %mul3A_202 = vector.broadcast %mul3A_201 : f32 to vector<16xf32>
    %mul3A_203 = arith.mulf %mul3A_202, %sub3A_200 : vector<16xf32>
    %add3A_204 = arith.addf %mul3A_203, %gather3A : vector<16xf32>
    %swap3A_205 = arith.constant 96 : index
    %swap3A_206 = tpu.vector_load %arg12[%swap3A_205] {strides = array<i32>} : memref<512xf32, #tpu.memory_space<vmem>>, vector<16xf32>,
    tpu.vector_store %arg12[%swap3A_205], %add3A_204 {strides = array<i32>} : memref<512xf32, #tpu.memory_space<vmem>>, vector<16xf32>,
    %neg3A_207 = arith.constant 0.000000e+00 : f32
    %neg3A_208 = vector.broadcast %neg3A_207 : f32 to vector<16xf32>
    %neg3A_209 = arith.subf %neg3A_208, %add3A_204 : vector<16xf32>
    %swap3A_210 = arith.constant 96 : index
    %swap3A_211 = tpu.vector_load %arg13[%swap3A_210] {strides = array<i32>} : memref<512xf32, #tpu.memory_space<vmem>>, vector<16xf32>,
    tpu.vector_store %arg13[%swap3A_210], %neg3A_209 {strides = array<i32>} : memref<512xf32, #tpu.memory_space<vmem>>, vector<16xf32>,
    %get3A_212 = arith.constant 112 : index
    %get3A_213 = tpu.vector_load %arg9[%get3A_212] {strides = array<i32>} : memref<512xf32, #tpu.memory_space<vmem>>, vector<16xf32>,
    %get3A_214 = arith.constant 112 : index
    %get3A_215 = tpu.vector_load %arg10[%get3A_214] {strides = array<i32>} : memref<512xf32, #tpu.memory_space<vmem>>, vector<16xf32>,
    %sub3A_216 = arith.subf %get3A_213, %get3A_215 : vector<16xf32>
    %mul3A_217 = arith.constant 0.00287823146 : f32
    %mul3A_218 = vector.broadcast %mul3A_217 : f32 to vector<16xf32>
    %mul3A_219 = arith.mulf %mul3A_218, %sub3A_216 : vector<16xf32>
    %add3A_220 = arith.addf %mul3A_219, %gather3A : vector<16xf32>
    %swap3A_221 = arith.constant 112 : index
    %swap3A_222 = tpu.vector_load %arg12[%swap3A_221] {strides = array<i32>} : memref<512xf32, #tpu.memory_space<vmem>>, vector<16xf32>,
    tpu.vector_store %arg12[%swap3A_221], %add3A_220 {strides = array<i32>} : memref<512xf32, #tpu.memory_space<vmem>>, vector<16xf32>,
    %neg3A_223 = arith.constant 0.000000e+00 : f32
    %neg3A_224 = vector.broadcast %neg3A_223 : f32 to vector<16xf32>
    %neg3A_225 = arith.subf %neg3A_224, %add3A_220 : vector<16xf32>
    %swap3A_226 = arith.constant 112 : index
    %swap3A_227 = tpu.vector_load %arg13[%swap3A_226] {strides = array<i32>} : memref<512xf32, #tpu.memory_space<vmem>>, vector<16xf32>,
    tpu.vector_store %arg13[%swap3A_226], %neg3A_225 {strides = array<i32>} : memref<512xf32, #tpu.memory_space<vmem>>, vector<16xf32>,
    %add3A_228 = arith.constant 0 : i32
    %add3A_229 = arith.addi %mul3A_2, %add3A_228 : i32
    %dma_start3A_230 = arith.constant 0 : i32
    %dma_start3A_231 = tpu.memref_slice %arg12[%dma_start3A_230] : memref<512xf32, #tpu.memory_space<vmem>> -> memref<128xf32, #tpu.memory_space<vmem>>
    %dma_start3A_232 = tpu.memref_slice %arg5[%add3A_229] : memref<16384xf32, #tpu.memory_space<hbm>> -> memref<128xf32, #tpu.memory_space<hbm>>
    %dma_start3A_233 = tpu.memref_slice %arg5[%add3A_229] : memref<16384xf32, #tpu.memory_space<hbm>> -> memref<128xf32, #tpu.memory_space<hbm>>
    %dma_start3A_234 = arith.constant 0 : i32
    %dma_start3A_235 = tpu.memref_slice %arg12[%dma_start3A_234] : memref<512xf32, #tpu.memory_space<vmem>> -> memref<128xf32, #tpu.memory_space<vmem>>
    tpu.enqueue_dma source(%dma_start3A_235 : memref<128xf32, #tpu.memory_space<vmem>>) target(%dma_start3A_233 : memref<128xf32, #tpu.memory_space<hbm>>) target_semaphore(%arg21 : memref<!tpu.dma_semaphore, #tpu.memory_space<semaphore_mem>>)
    %add3A_236 = arith.constant 0 : i32
    %add3A_237 = arith.addi %mul3A_2, %add3A_236 : i32
    %dma_start3A_238 = arith.constant 0 : i32
    %dma_start3A_239 = tpu.memref_slice %arg13[%dma_start3A_238] : memref<512xf32, #tpu.memory_space<vmem>> -> memref<128xf32, #tpu.memory_space<vmem>>
    %dma_start3A_240 = tpu.memref_slice %arg6[%add3A_237] : memref<16384xf32, #tpu.memory_space<hbm>> -> memref<128xf32, #tpu.memory_space<hbm>>
    %dma_start3A_241 = tpu.memref_slice %arg6[%add3A_237] : memref<16384xf32, #tpu.memory_space<hbm>> -> memref<128xf32, #tpu.memory_space<hbm>>
    %dma_start3A_242 = arith.constant 0 : i32
    %dma_start3A_243 = tpu.memref_slice %arg13[%dma_start3A_242] : memref<512xf32, #tpu.memory_space<vmem>> -> memref<128xf32, #tpu.memory_space<vmem>>
    tpu.enqueue_dma source(%dma_start3A_243 : memref<128xf32, #tpu.memory_space<vmem>>) target(%dma_start3A_241 : memref<128xf32, #tpu.memory_space<hbm>>) target_semaphore(%arg21 : memref<!tpu.dma_semaphore, #tpu.memory_space<semaphore_mem>>)
    %dma_wait3A_244 = arith.constant 1 : i32
    %dma_wait3A_245 = arith.constant 128 : i32
    %dma_wait3A_246 = tpu.memref_slice %arg9[%dma_wait3A_245] : memref<512xf32, #tpu.memory_space<vmem>> -> memref<128xf32, #tpu.memory_space<vmem>>
    %dma_wait3A_247 = arith.constant 0 : i32
    %dma_wait3A_248 = tpu.memref_slice %arg7[%dma_wait3A_244, %dma_wait3A_247] : memref<4x128xi32, #tpu.memory_space<vmem>> -> memref<1x128xi32, #tpu.memory_space<vmem>>
    %dma_wait3A_249 = tpu.memref_squeeze %dma_wait3A_248 : memref<1x128xi32, #tpu.memory_space<vmem>> -> memref<128xi32, #tpu.memory_space<vmem>>
    %dma_wait3A_250 = arith.constant 0 : i32
    %dma_wait3A_251 = tpu.memref_slice %arg3[%dma_wait3A_250] : memref<100000xf32, #tpu.memory_space<hbm>> -> memref<100000xf32, #tpu.memory_space<hbm>>
    tpu.wait_indirect_dma semaphore(%arg18 : memref<!tpu.dma_semaphore, #tpu.memory_space<semaphore_mem>>) src(%dma_wait3A_251 : memref<100000xf32, #tpu.memory_space<hbm>>) dst(%dma_wait3A_246 : memref<128xf32, #tpu.memory_space<vmem>>)
    %dma_wait3A_252 = arith.constant 1 : i32
    %dma_wait3A_253 = arith.constant 128 : i32
    %dma_wait3A_254 = tpu.memref_slice %arg10[%dma_wait3A_253] : memref<512xf32, #tpu.memory_space<vmem>> -> memref<128xf32, #tpu.memory_space<vmem>>
    %dma_wait3A_255 = arith.constant 0 : i32
    %dma_wait3A_256 = tpu.memref_slice %arg8[%dma_wait3A_252, %dma_wait3A_255] : memref<4x128xi32, #tpu.memory_space<vmem>> -> memref<1x128xi32, #tpu.memory_space<vmem>>
    %dma_wait3A_257 = tpu.memref_squeeze %dma_wait3A_256 : memref<1x128xi32, #tpu.memory_space<vmem>> -> memref<128xi32, #tpu.memory_space<vmem>>
    %dma_wait3A_258 = arith.constant 0 : i32
    %dma_wait3A_259 = tpu.memref_slice %arg3[%dma_wait3A_258] : memref<100000xf32, #tpu.memory_space<hbm>> -> memref<100000xf32, #tpu.memory_space<hbm>>
    tpu.wait_indirect_dma semaphore(%arg18 : memref<!tpu.dma_semaphore, #tpu.memory_space<semaphore_mem>>) src(%dma_wait3A_259 : memref<100000xf32, #tpu.memory_space<hbm>>) dst(%dma_wait3A_254 : memref<128xf32, #tpu.memory_space<vmem>>)
    %get3A_260 = arith.constant 128 : index
    %get3A_261 = tpu.vector_load %arg9[%get3A_260] {strides = array<i32>} : memref<512xf32, #tpu.memory_space<vmem>>, vector<16xf32>,
    %get3A_262 = arith.constant 128 : index
    %get3A_263 = tpu.vector_load %arg10[%get3A_262] {strides = array<i32>} : memref<512xf32, #tpu.memory_space<vmem>>, vector<16xf32>,
    %sub3A_264 = arith.subf %get3A_261, %get3A_263 : vector<16xf32>
    %mul3A_265 = arith.constant 0.00287823146 : f32
    %mul3A_266 = vector.broadcast %mul3A_265 : f32 to vector<16xf32>
    %mul3A_267 = arith.mulf %mul3A_266, %sub3A_264 : vector<16xf32>
    %add3A_268 = arith.addf %mul3A_267, %gather3A : vector<16xf32>
    %swap3A_269 = arith.constant 128 : index
    %swap3A_270 = tpu.vector_load %arg12[%swap3A_269] {strides = array<i32>} : memref<512xf32, #tpu.memory_space<vmem>>, vector<16xf32>,
    tpu.vector_store %arg12[%swap3A_269], %add3A_268 {strides = array<i32>} : memref<512xf32, #tpu.memory_space<vmem>>, vector<16xf32>,
    %neg3A_271 = arith.constant 0.000000e+00 : f32
    %neg3A_272 = vector.broadcast %neg3A_271 : f32 to vector<16xf32>
    %neg3A_273 = arith.subf %neg3A_272, %add3A_268 : vector<16xf32>
    %swap3A_274 = arith.constant 128 : index
    %swap3A_275 = tpu.vector_load %arg13[%swap3A_274] {strides = array<i32>} : memref<512xf32, #tpu.memory_space<vmem>>, vector<16xf32>,
    tpu.vector_store %arg13[%swap3A_274], %neg3A_273 {strides = array<i32>} : memref<512xf32, #tpu.memory_space<vmem>>, vector<16xf32>,
    %get3A_276 = arith.constant 144 : index
    %get3A_277 = tpu.vector_load %arg9[%get3A_276] {strides = array<i32>} : memref<512xf32, #tpu.memory_space<vmem>>, vector<16xf32>,
    %get3A_278 = arith.constant 144 : index
    %get3A_279 = tpu.vector_load %arg10[%get3A_278] {strides = array<i32>} : memref<512xf32, #tpu.memory_space<vmem>>, vector<16xf32>,
    %sub3A_280 = arith.subf %get3A_277, %get3A_279 : vector<16xf32>
    %mul3A_281 = arith.constant 0.00287823146 : f32
    %mul3A_282 = vector.broadcast %mul3A_281 : f32 to vector<16xf32>
    %mul3A_283 = arith.mulf %mul3A_282, %sub3A_280 : vector<16xf32>
    %add3A_284 = arith.addf %mul3A_283, %gather3A : vector<16xf32>
    %swap3A_285 = arith.constant 144 : index
    %swap3A_286 = tpu.vector_load %arg12[%swap3A_285] {strides = array<i32>} : memref<512xf32, #tpu.memory_space<vmem>>, vector<16xf32>,
    tpu.vector_store %arg12[%swap3A_285], %add3A_284 {strides = array<i32>} : memref<512xf32, #tpu.memory_space<vmem>>, vector<16xf32>,
    %neg3A_287 = arith.constant 0.000000e+00 : f32
    %neg3A_288 = vector.broadcast %neg3A_287 : f32 to vector<16xf32>
    %neg3A_289 = arith.subf %neg3A_288, %add3A_284 : vector<16xf32>
    %swap3A_290 = arith.constant 144 : index
    %swap3A_291 = tpu.vector_load %arg13[%swap3A_290] {strides = array<i32>} : memref<512xf32, #tpu.memory_space<vmem>>, vector<16xf32>,
    tpu.vector_store %arg13[%swap3A_290], %neg3A_289 {strides = array<i32>} : memref<512xf32, #tpu.memory_space<vmem>>, vector<16xf32>,
    %get3A_292 = arith.constant 160 : index
    %get3A_293 = tpu.vector_load %arg9[%get3A_292] {strides = array<i32>} : memref<512xf32, #tpu.memory_space<vmem>>, vector<16xf32>,
    %get3A_294 = arith.constant 160 : index
    %get3A_295 = tpu.vector_load %arg10[%get3A_294] {strides = array<i32>} : memref<512xf32, #tpu.memory_space<vmem>>, vector<16xf32>,
    %sub3A_296 = arith.subf %get3A_293, %get3A_295 : vector<16xf32>
    %mul3A_297 = arith.constant 0.00287823146 : f32
    %mul3A_298 = vector.broadcast %mul3A_297 : f32 to vector<16xf32>
    %mul3A_299 = arith.mulf %mul3A_298, %sub3A_296 : vector<16xf32>
    %add3A_300 = arith.addf %mul3A_299, %gather3A : vector<16xf32>
    %swap3A_301 = arith.constant 160 : index
    %swap3A_302 = tpu.vector_load %arg12[%swap3A_301] {strides = array<i32>} : memref<512xf32, #tpu.memory_space<vmem>>, vector<16xf32>,
    tpu.vector_store %arg12[%swap3A_301], %add3A_300 {strides = array<i32>} : memref<512xf32, #tpu.memory_space<vmem>>, vector<16xf32>,
    %neg3A_303 = arith.constant 0.000000e+00 : f32
    %neg3A_304 = vector.broadcast %neg3A_303 : f32 to vector<16xf32>
    %neg3A_305 = arith.subf %neg3A_304, %add3A_300 : vector<16xf32>
    %swap3A_306 = arith.constant 160 : index
    %swap3A_307 = tpu.vector_load %arg13[%swap3A_306] {strides = array<i32>} : memref<512xf32, #tpu.memory_space<vmem>>, vector<16xf32>,
    tpu.vector_store %arg13[%swap3A_306], %neg3A_305 {strides = array<i32>} : memref<512xf32, #tpu.memory_space<vmem>>, vector<16xf32>,
    %get3A_308 = arith.constant 176 : index
    %get3A_309 = tpu.vector_load %arg9[%get3A_308] {strides = array<i32>} : memref<512xf32, #tpu.memory_space<vmem>>, vector<16xf32>,
    %get3A_310 = arith.constant 176 : index
    %get3A_311 = tpu.vector_load %arg10[%get3A_310] {strides = array<i32>} : memref<512xf32, #tpu.memory_space<vmem>>, vector<16xf32>,
    %sub3A_312 = arith.subf %get3A_309, %get3A_311 : vector<16xf32>
    %mul3A_313 = arith.constant 0.00287823146 : f32
    %mul3A_314 = vector.broadcast %mul3A_313 : f32 to vector<16xf32>
    %mul3A_315 = arith.mulf %mul3A_314, %sub3A_312 : vector<16xf32>
    %add3A_316 = arith.addf %mul3A_315, %gather3A : vector<16xf32>
    %swap3A_317 = arith.constant 176 : index
    %swap3A_318 = tpu.vector_load %arg12[%swap3A_317] {strides = array<i32>} : memref<512xf32, #tpu.memory_space<vmem>>, vector<16xf32>,
    tpu.vector_store %arg12[%swap3A_317], %add3A_316 {strides = array<i32>} : memref<512xf32, #tpu.memory_space<vmem>>, vector<16xf32>,
    %neg3A_319 = arith.constant 0.000000e+00 : f32
    %neg3A_320 = vector.broadcast %neg3A_319 : f32 to vector<16xf32>
    %neg3A_321 = arith.subf %neg3A_320, %add3A_316 : vector<16xf32>
    %swap3A_322 = arith.constant 176 : index
    %swap3A_323 = tpu.vector_load %arg13[%swap3A_322] {strides = array<i32>} : memref<512xf32, #tpu.memory_space<vmem>>, vector<16xf32>,
    tpu.vector_store %arg13[%swap3A_322], %neg3A_321 {strides = array<i32>} : memref<512xf32, #tpu.memory_space<vmem>>, vector<16xf32>,
    %get3A_324 = arith.constant 192 : index
    %get3A_325 = tpu.vector_load %arg9[%get3A_324] {strides = array<i32>} : memref<512xf32, #tpu.memory_space<vmem>>, vector<16xf32>,
    %get3A_326 = arith.constant 192 : index
    %get3A_327 = tpu.vector_load %arg10[%get3A_326] {strides = array<i32>} : memref<512xf32, #tpu.memory_space<vmem>>, vector<16xf32>,
    %sub3A_328 = arith.subf %get3A_325, %get3A_327 : vector<16xf32>
    %mul3A_329 = arith.constant 0.00287823146 : f32
    %mul3A_330 = vector.broadcast %mul3A_329 : f32 to vector<16xf32>
    %mul3A_331 = arith.mulf %mul3A_330, %sub3A_328 : vector<16xf32>
    %add3A_332 = arith.addf %mul3A_331, %gather3A : vector<16xf32>
    %swap3A_333 = arith.constant 192 : index
    %swap3A_334 = tpu.vector_load %arg12[%swap3A_333] {strides = array<i32>} : memref<512xf32, #tpu.memory_space<vmem>>, vector<16xf32>,
    tpu.vector_store %arg12[%swap3A_333], %add3A_332 {strides = array<i32>} : memref<512xf32, #tpu.memory_space<vmem>>, vector<16xf32>,
    %neg3A_335 = arith.constant 0.000000e+00 : f32
    %neg3A_336 = vector.broadcast %neg3A_335 : f32 to vector<16xf32>
    %neg3A_337 = arith.subf %neg3A_336, %add3A_332 : vector<16xf32>
    %swap3A_338 = arith.constant 192 : index
    %swap3A_339 = tpu.vector_load %arg13[%swap3A_338] {strides = array<i32>} : memref<512xf32, #tpu.memory_space<vmem>>, vector<16xf32>,
    tpu.vector_store %arg13[%swap3A_338], %neg3A_337 {strides = array<i32>} : memref<512xf32, #tpu.memory_space<vmem>>, vector<16xf32>,
    %get3A_340 = arith.constant 208 : index
    %get3A_341 = tpu.vector_load %arg9[%get3A_340] {strides = array<i32>} : memref<512xf32, #tpu.memory_space<vmem>>, vector<16xf32>,
    %get3A_342 = arith.constant 208 : index
    %get3A_343 = tpu.vector_load %arg10[%get3A_342] {strides = array<i32>} : memref<512xf32, #tpu.memory_space<vmem>>, vector<16xf32>,
    %sub3A_344 = arith.subf %get3A_341, %get3A_343 : vector<16xf32>
    %mul3A_345 = arith.constant 0.00287823146 : f32
    %mul3A_346 = vector.broadcast %mul3A_345 : f32 to vector<16xf32>
    %mul3A_347 = arith.mulf %mul3A_346, %sub3A_344 : vector<16xf32>
    %add3A_348 = arith.addf %mul3A_347, %gather3A : vector<16xf32>
    %swap3A_349 = arith.constant 208 : index
    %swap3A_350 = tpu.vector_load %arg12[%swap3A_349] {strides = array<i32>} : memref<512xf32, #tpu.memory_space<vmem>>, vector<16xf32>,
    tpu.vector_store %arg12[%swap3A_349], %add3A_348 {strides = array<i32>} : memref<512xf32, #tpu.memory_space<vmem>>, vector<16xf32>,
    %neg3A_351 = arith.constant 0.000000e+00 : f32
    %neg3A_352 = vector.broadcast %neg3A_351 : f32 to vector<16xf32>
    %neg3A_353 = arith.subf %neg3A_352, %add3A_348 : vector<16xf32>
    %swap3A_354 = arith.constant 208 : index
    %swap3A_355 = tpu.vector_load %arg13[%swap3A_354] {strides = array<i32>} : memref<512xf32, #tpu.memory_space<vmem>>, vector<16xf32>,
    tpu.vector_store %arg13[%swap3A_354], %neg3A_353 {strides = array<i32>} : memref<512xf32, #tpu.memory_space<vmem>>, vector<16xf32>,
    %get3A_356 = arith.constant 224 : index
    %get3A_357 = tpu.vector_load %arg9[%get3A_356] {strides = array<i32>} : memref<512xf32, #tpu.memory_space<vmem>>, vector<16xf32>,
    %get3A_358 = arith.constant 224 : index
    %get3A_359 = tpu.vector_load %arg10[%get3A_358] {strides = array<i32>} : memref<512xf32, #tpu.memory_space<vmem>>, vector<16xf32>,
    %sub3A_360 = arith.subf %get3A_357, %get3A_359 : vector<16xf32>
    %mul3A_361 = arith.constant 0.00287823146 : f32
    %mul3A_362 = vector.broadcast %mul3A_361 : f32 to vector<16xf32>
    %mul3A_363 = arith.mulf %mul3A_362, %sub3A_360 : vector<16xf32>
    %add3A_364 = arith.addf %mul3A_363, %gather3A : vector<16xf32>
    %swap3A_365 = arith.constant 224 : index
    %swap3A_366 = tpu.vector_load %arg12[%swap3A_365] {strides = array<i32>} : memref<512xf32, #tpu.memory_space<vmem>>, vector<16xf32>,
    tpu.vector_store %arg12[%swap3A_365], %add3A_364 {strides = array<i32>} : memref<512xf32, #tpu.memory_space<vmem>>, vector<16xf32>,
    %neg3A_367 = arith.constant 0.000000e+00 : f32
    %neg3A_368 = vector.broadcast %neg3A_367 : f32 to vector<16xf32>
    %neg3A_369 = arith.subf %neg3A_368, %add3A_364 : vector<16xf32>
    %swap3A_370 = arith.constant 224 : index
    %swap3A_371 = tpu.vector_load %arg13[%swap3A_370] {strides = array<i32>} : memref<512xf32, #tpu.memory_space<vmem>>, vector<16xf32>,
    tpu.vector_store %arg13[%swap3A_370], %neg3A_369 {strides = array<i32>} : memref<512xf32, #tpu.memory_space<vmem>>, vector<16xf32>,
    %get3A_372 = arith.constant 240 : index
    %get3A_373 = tpu.vector_load %arg9[%get3A_372] {strides = array<i32>} : memref<512xf32, #tpu.memory_space<vmem>>, vector<16xf32>,
    %get3A_374 = arith.constant 240 : index
    %get3A_375 = tpu.vector_load %arg10[%get3A_374] {strides = array<i32>} : memref<512xf32, #tpu.memory_space<vmem>>, vector<16xf32>,
    %sub3A_376 = arith.subf %get3A_373, %get3A_375 : vector<16xf32>
    %mul3A_377 = arith.constant 0.00287823146 : f32
    %mul3A_378 = vector.broadcast %mul3A_377 : f32 to vector<16xf32>
    %mul3A_379 = arith.mulf %mul3A_378, %sub3A_376 : vector<16xf32>
    %add3A_380 = arith.addf %mul3A_379, %gather3A : vector<16xf32>
    %swap3A_381 = arith.constant 240 : index
    %swap3A_382 = tpu.vector_load %arg12[%swap3A_381] {strides = array<i32>} : memref<512xf32, #tpu.memory_space<vmem>>, vector<16xf32>,
    tpu.vector_store %arg12[%swap3A_381], %add3A_380 {strides = array<i32>} : memref<512xf32, #tpu.memory_space<vmem>>, vector<16xf32>,
    %neg3A_383 = arith.constant 0.000000e+00 : f32
    %neg3A_384 = vector.broadcast %neg3A_383 : f32 to vector<16xf32>
    %neg3A_385 = arith.subf %neg3A_384, %add3A_380 : vector<16xf32>
    %swap3A_386 = arith.constant 240 : index
    %swap3A_387 = tpu.vector_load %arg13[%swap3A_386] {strides = array<i32>} : memref<512xf32, #tpu.memory_space<vmem>>, vector<16xf32>,
    tpu.vector_store %arg13[%swap3A_386], %neg3A_385 {strides = array<i32>} : memref<512xf32, #tpu.memory_space<vmem>>, vector<16xf32>,
    %add3A_388 = arith.constant 128 : i32
    %add3A_389 = arith.addi %mul3A_2, %add3A_388 : i32
    %dma_start3A_390 = arith.constant 128 : i32
    %dma_start3A_391 = tpu.memref_slice %arg12[%dma_start3A_390] : memref<512xf32, #tpu.memory_space<vmem>> -> memref<128xf32, #tpu.memory_space<vmem>>
    %dma_start3A_392 = tpu.memref_slice %arg5[%add3A_389] : memref<16384xf32, #tpu.memory_space<hbm>> -> memref<128xf32, #tpu.memory_space<hbm>>
    %dma_start3A_393 = tpu.memref_slice %arg5[%add3A_389] : memref<16384xf32, #tpu.memory_space<hbm>> -> memref<128xf32, #tpu.memory_space<hbm>>
    %dma_start3A_394 = arith.constant 128 : i32
    %dma_start3A_395 = tpu.memref_slice %arg12[%dma_start3A_394] : memref<512xf32, #tpu.memory_space<vmem>> -> memref<128xf32, #tpu.memory_space<vmem>>
    tpu.enqueue_dma source(%dma_start3A_395 : memref<128xf32, #tpu.memory_space<vmem>>) target(%dma_start3A_393 : memref<128xf32, #tpu.memory_space<hbm>>) target_semaphore(%arg21 : memref<!tpu.dma_semaphore, #tpu.memory_space<semaphore_mem>>)
    %add3A_396 = arith.constant 128 : i32
    %add3A_397 = arith.addi %mul3A_2, %add3A_396 : i32
    %dma_start3A_398 = arith.constant 128 : i32
    %dma_start3A_399 = tpu.memref_slice %arg13[%dma_start3A_398] : memref<512xf32, #tpu.memory_space<vmem>> -> memref<128xf32, #tpu.memory_space<vmem>>
    %dma_start3A_400 = tpu.memref_slice %arg6[%add3A_397] : memref<16384xf32, #tpu.memory_space<hbm>> -> memref<128xf32, #tpu.memory_space<hbm>>
    %dma_start3A_401 = tpu.memref_slice %arg6[%add3A_397] : memref<16384xf32, #tpu.memory_space<hbm>> -> memref<128xf32, #tpu.memory_space<hbm>>
    %dma_start3A_402 = arith.constant 128 : i32
    %dma_start3A_403 = tpu.memref_slice %arg13[%dma_start3A_402] : memref<512xf32, #tpu.memory_space<vmem>> -> memref<128xf32, #tpu.memory_space<vmem>>
    tpu.enqueue_dma source(%dma_start3A_403 : memref<128xf32, #tpu.memory_space<vmem>>) target(%dma_start3A_401 : memref<128xf32, #tpu.memory_space<hbm>>) target_semaphore(%arg21 : memref<!tpu.dma_semaphore, #tpu.memory_space<semaphore_mem>>)
    %dma_wait3A_404 = arith.constant 2 : i32
    %dma_wait3A_405 = arith.constant 256 : i32
    %dma_wait3A_406 = tpu.memref_slice %arg9[%dma_wait3A_405] : memref<512xf32, #tpu.memory_space<vmem>> -> memref<128xf32, #tpu.memory_space<vmem>>
    %dma_wait3A_407 = arith.constant 0 : i32
    %dma_wait3A_408 = tpu.memref_slice %arg7[%dma_wait3A_404, %dma_wait3A_407] : memref<4x128xi32, #tpu.memory_space<vmem>> -> memref<1x128xi32, #tpu.memory_space<vmem>>
    %dma_wait3A_409 = tpu.memref_squeeze %dma_wait3A_408 : memref<1x128xi32, #tpu.memory_space<vmem>> -> memref<128xi32, #tpu.memory_space<vmem>>
    %dma_wait3A_410 = arith.constant 0 : i32
    %dma_wait3A_411 = tpu.memref_slice %arg3[%dma_wait3A_410] : memref<100000xf32, #tpu.memory_space<hbm>> -> memref<100000xf32, #tpu.memory_space<hbm>>
    tpu.wait_indirect_dma semaphore(%arg19 : memref<!tpu.dma_semaphore, #tpu.memory_space<semaphore_mem>>) src(%dma_wait3A_411 : memref<100000xf32, #tpu.memory_space<hbm>>) dst(%dma_wait3A_406 : memref<128xf32, #tpu.memory_space<vmem>>)
    %dma_wait3A_412 = arith.constant 2 : i32
    %dma_wait3A_413 = arith.constant 256 : i32
    %dma_wait3A_414 = tpu.memref_slice %arg10[%dma_wait3A_413] : memref<512xf32, #tpu.memory_space<vmem>> -> memref<128xf32, #tpu.memory_space<vmem>>
    %dma_wait3A_415 = arith.constant 0 : i32
    %dma_wait3A_416 = tpu.memref_slice %arg8[%dma_wait3A_412, %dma_wait3A_415] : memref<4x128xi32, #tpu.memory_space<vmem>> -> memref<1x128xi32, #tpu.memory_space<vmem>>
    %dma_wait3A_417 = tpu.memref_squeeze %dma_wait3A_416 : memref<1x128xi32, #tpu.memory_space<vmem>> -> memref<128xi32, #tpu.memory_space<vmem>>
    %dma_wait3A_418 = arith.constant 0 : i32
    %dma_wait3A_419 = tpu.memref_slice %arg3[%dma_wait3A_418] : memref<100000xf32, #tpu.memory_space<hbm>> -> memref<100000xf32, #tpu.memory_space<hbm>>
    tpu.wait_indirect_dma semaphore(%arg19 : memref<!tpu.dma_semaphore, #tpu.memory_space<semaphore_mem>>) src(%dma_wait3A_419 : memref<100000xf32, #tpu.memory_space<hbm>>) dst(%dma_wait3A_414 : memref<128xf32, #tpu.memory_space<vmem>>)
    %get3A_420 = arith.constant 256 : index
    %get3A_421 = tpu.vector_load %arg9[%get3A_420] {strides = array<i32>} : memref<512xf32, #tpu.memory_space<vmem>>, vector<16xf32>,
    %get3A_422 = arith.constant 256 : index
    %get3A_423 = tpu.vector_load %arg10[%get3A_422] {strides = array<i32>} : memref<512xf32, #tpu.memory_space<vmem>>, vector<16xf32>,
    %sub3A_424 = arith.subf %get3A_421, %get3A_423 : vector<16xf32>
    %mul3A_425 = arith.constant 0.00287823146 : f32
    %mul3A_426 = vector.broadcast %mul3A_425 : f32 to vector<16xf32>
    %mul3A_427 = arith.mulf %mul3A_426, %sub3A_424 : vector<16xf32>
    %add3A_428 = arith.addf %mul3A_427, %gather3A : vector<16xf32>
    %swap3A_429 = arith.constant 256 : index
    %swap3A_430 = tpu.vector_load %arg12[%swap3A_429] {strides = array<i32>} : memref<512xf32, #tpu.memory_space<vmem>>, vector<16xf32>,
    tpu.vector_store %arg12[%swap3A_429], %add3A_428 {strides = array<i32>} : memref<512xf32, #tpu.memory_space<vmem>>, vector<16xf32>,
    %neg3A_431 = arith.constant 0.000000e+00 : f32
    %neg3A_432 = vector.broadcast %neg3A_431 : f32 to vector<16xf32>
    %neg3A_433 = arith.subf %neg3A_432, %add3A_428 : vector<16xf32>
    %swap3A_434 = arith.constant 256 : index
    %swap3A_435 = tpu.vector_load %arg13[%swap3A_434] {strides = array<i32>} : memref<512xf32, #tpu.memory_space<vmem>>, vector<16xf32>,
    tpu.vector_store %arg13[%swap3A_434], %neg3A_433 {strides = array<i32>} : memref<512xf32, #tpu.memory_space<vmem>>, vector<16xf32>,
    %get3A_436 = arith.constant 272 : index
    %get3A_437 = tpu.vector_load %arg9[%get3A_436] {strides = array<i32>} : memref<512xf32, #tpu.memory_space<vmem>>, vector<16xf32>,
    %get3A_438 = arith.constant 272 : index
    %get3A_439 = tpu.vector_load %arg10[%get3A_438] {strides = array<i32>} : memref<512xf32, #tpu.memory_space<vmem>>, vector<16xf32>,
    %sub3A_440 = arith.subf %get3A_437, %get3A_439 : vector<16xf32>
    %mul3A_441 = arith.constant 0.00287823146 : f32
    %mul3A_442 = vector.broadcast %mul3A_441 : f32 to vector<16xf32>
    %mul3A_443 = arith.mulf %mul3A_442, %sub3A_440 : vector<16xf32>
    %add3A_444 = arith.addf %mul3A_443, %gather3A : vector<16xf32>
    %swap3A_445 = arith.constant 272 : index
    %swap3A_446 = tpu.vector_load %arg12[%swap3A_445] {strides = array<i32>} : memref<512xf32, #tpu.memory_space<vmem>>, vector<16xf32>,
    tpu.vector_store %arg12[%swap3A_445], %add3A_444 {strides = array<i32>} : memref<512xf32, #tpu.memory_space<vmem>>, vector<16xf32>,
    %neg3A_447 = arith.constant 0.000000e+00 : f32
    %neg3A_448 = vector.broadcast %neg3A_447 : f32 to vector<16xf32>
    %neg3A_449 = arith.subf %neg3A_448, %add3A_444 : vector<16xf32>
    %swap3A_450 = arith.constant 272 : index
    %swap3A_451 = tpu.vector_load %arg13[%swap3A_450] {strides = array<i32>} : memref<512xf32, #tpu.memory_space<vmem>>, vector<16xf32>,
    tpu.vector_store %arg13[%swap3A_450], %neg3A_449 {strides = array<i32>} : memref<512xf32, #tpu.memory_space<vmem>>, vector<16xf32>,
    %get3A_452 = arith.constant 288 : index
    %get3A_453 = tpu.vector_load %arg9[%get3A_452] {strides = array<i32>} : memref<512xf32, #tpu.memory_space<vmem>>, vector<16xf32>,
    %get3A_454 = arith.constant 288 : index
    %get3A_455 = tpu.vector_load %arg10[%get3A_454] {strides = array<i32>} : memref<512xf32, #tpu.memory_space<vmem>>, vector<16xf32>,
    %sub3A_456 = arith.subf %get3A_453, %get3A_455 : vector<16xf32>
    %mul3A_457 = arith.constant 0.00287823146 : f32
    %mul3A_458 = vector.broadcast %mul3A_457 : f32 to vector<16xf32>
    %mul3A_459 = arith.mulf %mul3A_458, %sub3A_456 : vector<16xf32>
    %add3A_460 = arith.addf %mul3A_459, %gather3A : vector<16xf32>
    %swap3A_461 = arith.constant 288 : index
    %swap3A_462 = tpu.vector_load %arg12[%swap3A_461] {strides = array<i32>} : memref<512xf32, #tpu.memory_space<vmem>>, vector<16xf32>,
    tpu.vector_store %arg12[%swap3A_461], %add3A_460 {strides = array<i32>} : memref<512xf32, #tpu.memory_space<vmem>>, vector<16xf32>,
    %neg3A_463 = arith.constant 0.000000e+00 : f32
    %neg3A_464 = vector.broadcast %neg3A_463 : f32 to vector<16xf32>
    %neg3A_465 = arith.subf %neg3A_464, %add3A_460 : vector<16xf32>
    %swap3A_466 = arith.constant 288 : index
    %swap3A_467 = tpu.vector_load %arg13[%swap3A_466] {strides = array<i32>} : memref<512xf32, #tpu.memory_space<vmem>>, vector<16xf32>,
    tpu.vector_store %arg13[%swap3A_466], %neg3A_465 {strides = array<i32>} : memref<512xf32, #tpu.memory_space<vmem>>, vector<16xf32>,
    %get3A_468 = arith.constant 304 : index
    %get3A_469 = tpu.vector_load %arg9[%get3A_468] {strides = array<i32>} : memref<512xf32, #tpu.memory_space<vmem>>, vector<16xf32>,
    %get3A_470 = arith.constant 304 : index
    %get3A_471 = tpu.vector_load %arg10[%get3A_470] {strides = array<i32>} : memref<512xf32, #tpu.memory_space<vmem>>, vector<16xf32>,
    %sub3A_472 = arith.subf %get3A_469, %get3A_471 : vector<16xf32>
    %mul3A_473 = arith.constant 0.00287823146 : f32
    %mul3A_474 = vector.broadcast %mul3A_473 : f32 to vector<16xf32>
    %mul3A_475 = arith.mulf %mul3A_474, %sub3A_472 : vector<16xf32>
    %add3A_476 = arith.addf %mul3A_475, %gather3A : vector<16xf32>
    %swap3A_477 = arith.constant 304 : index
    %swap3A_478 = tpu.vector_load %arg12[%swap3A_477] {strides = array<i32>} : memref<512xf32, #tpu.memory_space<vmem>>, vector<16xf32>,
    tpu.vector_store %arg12[%swap3A_477], %add3A_476 {strides = array<i32>} : memref<512xf32, #tpu.memory_space<vmem>>, vector<16xf32>,
    %neg3A_479 = arith.constant 0.000000e+00 : f32
    %neg3A_480 = vector.broadcast %neg3A_479 : f32 to vector<16xf32>
    %neg3A_481 = arith.subf %neg3A_480, %add3A_476 : vector<16xf32>
    %swap3A_482 = arith.constant 304 : index
    %swap3A_483 = tpu.vector_load %arg13[%swap3A_482] {strides = array<i32>} : memref<512xf32, #tpu.memory_space<vmem>>, vector<16xf32>,
    tpu.vector_store %arg13[%swap3A_482], %neg3A_481 {strides = array<i32>} : memref<512xf32, #tpu.memory_space<vmem>>, vector<16xf32>,
    %get3A_484 = arith.constant 320 : index
    %get3A_485 = tpu.vector_load %arg9[%get3A_484] {strides = array<i32>} : memref<512xf32, #tpu.memory_space<vmem>>, vector<16xf32>,
    %get3A_486 = arith.constant 320 : index
    %get3A_487 = tpu.vector_load %arg10[%get3A_486] {strides = array<i32>} : memref<512xf32, #tpu.memory_space<vmem>>, vector<16xf32>,
    %sub3A_488 = arith.subf %get3A_485, %get3A_487 : vector<16xf32>
    %mul3A_489 = arith.constant 0.00287823146 : f32
    %mul3A_490 = vector.broadcast %mul3A_489 : f32 to vector<16xf32>
    %mul3A_491 = arith.mulf %mul3A_490, %sub3A_488 : vector<16xf32>
    %add3A_492 = arith.addf %mul3A_491, %gather3A : vector<16xf32>
    %swap3A_493 = arith.constant 320 : index
    %swap3A_494 = tpu.vector_load %arg12[%swap3A_493] {strides = array<i32>} : memref<512xf32, #tpu.memory_space<vmem>>, vector<16xf32>,
    tpu.vector_store %arg12[%swap3A_493], %add3A_492 {strides = array<i32>} : memref<512xf32, #tpu.memory_space<vmem>>, vector<16xf32>,
    %neg3A_495 = arith.constant 0.000000e+00 : f32
    %neg3A_496 = vector.broadcast %neg3A_495 : f32 to vector<16xf32>
    %neg3A_497 = arith.subf %neg3A_496, %add3A_492 : vector<16xf32>
    %swap3A_498 = arith.constant 320 : index
    %swap3A_499 = tpu.vector_load %arg13[%swap3A_498] {strides = array<i32>} : memref<512xf32, #tpu.memory_space<vmem>>, vector<16xf32>,
    tpu.vector_store %arg13[%swap3A_498], %neg3A_497 {strides = array<i32>} : memref<512xf32, #tpu.memory_space<vmem>>, vector<16xf32>,
    %get3A_500 = arith.constant 336 : index
    %get3A_501 = tpu.vector_load %arg9[%get3A_500] {strides = array<i32>} : memref<512xf32, #tpu.memory_space<vmem>>, vector<16xf32>,
    %get3A_502 = arith.constant 336 : index
    %get3A_503 = tpu.vector_load %arg10[%get3A_502] {strides = array<i32>} : memref<512xf32, #tpu.memory_space<vmem>>, vector<16xf32>,
    %sub3A_504 = arith.subf %get3A_501, %get3A_503 : vector<16xf32>
    %mul3A_505 = arith.constant 0.00287823146 : f32
    %mul3A_506 = vector.broadcast %mul3A_505 : f32 to vector<16xf32>
    %mul3A_507 = arith.mulf %mul3A_506, %sub3A_504 : vector<16xf32>
    %add3A_508 = arith.addf %mul3A_507, %gather3A : vector<16xf32>
    %swap3A_509 = arith.constant 336 : index
    %swap3A_510 = tpu.vector_load %arg12[%swap3A_509] {strides = array<i32>} : memref<512xf32, #tpu.memory_space<vmem>>, vector<16xf32>,
    tpu.vector_store %arg12[%swap3A_509], %add3A_508 {strides = array<i32>} : memref<512xf32, #tpu.memory_space<vmem>>, vector<16xf32>,
    %neg3A_511 = arith.constant 0.000000e+00 : f32
    %neg3A_512 = vector.broadcast %neg3A_511 : f32 to vector<16xf32>
    %neg3A_513 = arith.subf %neg3A_512, %add3A_508 : vector<16xf32>
    %swap3A_514 = arith.constant 336 : index
    %swap3A_515 = tpu.vector_load %arg13[%swap3A_514] {strides = array<i32>} : memref<512xf32, #tpu.memory_space<vmem>>, vector<16xf32>,
    tpu.vector_store %arg13[%swap3A_514], %neg3A_513 {strides = array<i32>} : memref<512xf32, #tpu.memory_space<vmem>>, vector<16xf32>,
    %get3A_516 = arith.constant 352 : index
    %get3A_517 = tpu.vector_load %arg9[%get3A_516] {strides = array<i32>} : memref<512xf32, #tpu.memory_space<vmem>>, vector<16xf32>,
    %get3A_518 = arith.constant 352 : index
    %get3A_519 = tpu.vector_load %arg10[%get3A_518] {strides = array<i32>} : memref<512xf32, #tpu.memory_space<vmem>>, vector<16xf32>,
    %sub3A_520 = arith.subf %get3A_517, %get3A_519 : vector<16xf32>
    %mul3A_521 = arith.constant 0.00287823146 : f32
    %mul3A_522 = vector.broadcast %mul3A_521 : f32 to vector<16xf32>
    %mul3A_523 = arith.mulf %mul3A_522, %sub3A_520 : vector<16xf32>
    %add3A_524 = arith.addf %mul3A_523, %gather3A : vector<16xf32>
    %swap3A_525 = arith.constant 352 : index
    %swap3A_526 = tpu.vector_load %arg12[%swap3A_525] {strides = array<i32>} : memref<512xf32, #tpu.memory_space<vmem>>, vector<16xf32>,
    tpu.vector_store %arg12[%swap3A_525], %add3A_524 {strides = array<i32>} : memref<512xf32, #tpu.memory_space<vmem>>, vector<16xf32>,
    %neg3A_527 = arith.constant 0.000000e+00 : f32
    %neg3A_528 = vector.broadcast %neg3A_527 : f32 to vector<16xf32>
    %neg3A_529 = arith.subf %neg3A_528, %add3A_524 : vector<16xf32>
    %swap3A_530 = arith.constant 352 : index
    %swap3A_531 = tpu.vector_load %arg13[%swap3A_530] {strides = array<i32>} : memref<512xf32, #tpu.memory_space<vmem>>, vector<16xf32>,
    tpu.vector_store %arg13[%swap3A_530], %neg3A_529 {strides = array<i32>} : memref<512xf32, #tpu.memory_space<vmem>>, vector<16xf32>,
    %get3A_532 = arith.constant 368 : index
    %get3A_533 = tpu.vector_load %arg9[%get3A_532] {strides = array<i32>} : memref<512xf32, #tpu.memory_space<vmem>>, vector<16xf32>,
    %get3A_534 = arith.constant 368 : index
    %get3A_535 = tpu.vector_load %arg10[%get3A_534] {strides = array<i32>} : memref<512xf32, #tpu.memory_space<vmem>>, vector<16xf32>,
    %sub3A_536 = arith.subf %get3A_533, %get3A_535 : vector<16xf32>
    %mul3A_537 = arith.constant 0.00287823146 : f32
    %mul3A_538 = vector.broadcast %mul3A_537 : f32 to vector<16xf32>
    %mul3A_539 = arith.mulf %mul3A_538, %sub3A_536 : vector<16xf32>
    %add3A_540 = arith.addf %mul3A_539, %gather3A : vector<16xf32>
    %swap3A_541 = arith.constant 368 : index
    %swap3A_542 = tpu.vector_load %arg12[%swap3A_541] {strides = array<i32>} : memref<512xf32, #tpu.memory_space<vmem>>, vector<16xf32>,
    tpu.vector_store %arg12[%swap3A_541], %add3A_540 {strides = array<i32>} : memref<512xf32, #tpu.memory_space<vmem>>, vector<16xf32>,
    %neg3A_543 = arith.constant 0.000000e+00 : f32
    %neg3A_544 = vector.broadcast %neg3A_543 : f32 to vector<16xf32>
    %neg3A_545 = arith.subf %neg3A_544, %add3A_540 : vector<16xf32>
    %swap3A_546 = arith.constant 368 : index
    %swap3A_547 = tpu.vector_load %arg13[%swap3A_546] {strides = array<i32>} : memref<512xf32, #tpu.memory_space<vmem>>, vector<16xf32>,
    tpu.vector_store %arg13[%swap3A_546], %neg3A_545 {strides = array<i32>} : memref<512xf32, #tpu.memory_space<vmem>>, vector<16xf32>,
    %add3A_548 = arith.constant 256 : i32
    %add3A_549 = arith.addi %mul3A_2, %add3A_548 : i32
    %dma_start3A_550 = arith.constant 256 : i32
    %dma_start3A_551 = tpu.memref_slice %arg12[%dma_start3A_550] : memref<512xf32, #tpu.memory_space<vmem>> -> memref<128xf32, #tpu.memory_space<vmem>>
    %dma_start3A_552 = tpu.memref_slice %arg5[%add3A_549] : memref<16384xf32, #tpu.memory_space<hbm>> -> memref<128xf32, #tpu.memory_space<hbm>>
    %dma_start3A_553 = tpu.memref_slice %arg5[%add3A_549] : memref<16384xf32, #tpu.memory_space<hbm>> -> memref<128xf32, #tpu.memory_space<hbm>>
    %dma_start3A_554 = arith.constant 256 : i32
    %dma_start3A_555 = tpu.memref_slice %arg12[%dma_start3A_554] : memref<512xf32, #tpu.memory_space<vmem>> -> memref<128xf32, #tpu.memory_space<vmem>>
    tpu.enqueue_dma source(%dma_start3A_555 : memref<128xf32, #tpu.memory_space<vmem>>) target(%dma_start3A_553 : memref<128xf32, #tpu.memory_space<hbm>>) target_semaphore(%arg21 : memref<!tpu.dma_semaphore, #tpu.memory_space<semaphore_mem>>)
    %add3A_556 = arith.constant 256 : i32
    %add3A_557 = arith.addi %mul3A_2, %add3A_556 : i32
    %dma_start3A_558 = arith.constant 256 : i32
    %dma_start3A_559 = tpu.memref_slice %arg13[%dma_start3A_558] : memref<512xf32, #tpu.memory_space<vmem>> -> memref<128xf32, #tpu.memory_space<vmem>>
    %dma_start3A_560 = tpu.memref_slice %arg6[%add3A_557] : memref<16384xf32, #tpu.memory_space<hbm>> -> memref<128xf32, #tpu.memory_space<hbm>>
    %dma_start3A_561 = tpu.memref_slice %arg6[%add3A_557] : memref<16384xf32, #tpu.memory_space<hbm>> -> memref<128xf32, #tpu.memory_space<hbm>>
    %dma_start3A_562 = arith.constant 256 : i32
    %dma_start3A_563 = tpu.memref_slice %arg13[%dma_start3A_562] : memref<512xf32, #tpu.memory_space<vmem>> -> memref<128xf32, #tpu.memory_space<vmem>>
    tpu.enqueue_dma source(%dma_start3A_563 : memref<128xf32, #tpu.memory_space<vmem>>) target(%dma_start3A_561 : memref<128xf32, #tpu.memory_space<hbm>>) target_semaphore(%arg21 : memref<!tpu.dma_semaphore, #tpu.memory_space<semaphore_mem>>)
    %dma_wait3A_564 = arith.constant 3 : i32
    %dma_wait3A_565 = arith.constant 384 : i32
    %dma_wait3A_566 = tpu.memref_slice %arg9[%dma_wait3A_565] : memref<512xf32, #tpu.memory_space<vmem>> -> memref<128xf32, #tpu.memory_space<vmem>>
    %dma_wait3A_567 = arith.constant 0 : i32
    %dma_wait3A_568 = tpu.memref_slice %arg7[%dma_wait3A_564, %dma_wait3A_567] : memref<4x128xi32, #tpu.memory_space<vmem>> -> memref<1x128xi32, #tpu.memory_space<vmem>>
    %dma_wait3A_569 = tpu.memref_squeeze %dma_wait3A_568 : memref<1x128xi32, #tpu.memory_space<vmem>> -> memref<128xi32, #tpu.memory_space<vmem>>
    %dma_wait3A_570 = arith.constant 0 : i32
    %dma_wait3A_571 = tpu.memref_slice %arg3[%dma_wait3A_570] : memref<100000xf32, #tpu.memory_space<hbm>> -> memref<100000xf32, #tpu.memory_space<hbm>>
    tpu.wait_indirect_dma semaphore(%arg20 : memref<!tpu.dma_semaphore, #tpu.memory_space<semaphore_mem>>) src(%dma_wait3A_571 : memref<100000xf32, #tpu.memory_space<hbm>>) dst(%dma_wait3A_566 : memref<128xf32, #tpu.memory_space<vmem>>)
    %dma_wait3A_572 = arith.constant 3 : i32
    %dma_wait3A_573 = arith.constant 384 : i32
    %dma_wait3A_574 = tpu.memref_slice %arg10[%dma_wait3A_573] : memref<512xf32, #tpu.memory_space<vmem>> -> memref<128xf32, #tpu.memory_space<vmem>>
    %dma_wait3A_575 = arith.constant 0 : i32
    %dma_wait3A_576 = tpu.memref_slice %arg8[%dma_wait3A_572, %dma_wait3A_575] : memref<4x128xi32, #tpu.memory_space<vmem>> -> memref<1x128xi32, #tpu.memory_space<vmem>>
    %dma_wait3A_577 = tpu.memref_squeeze %dma_wait3A_576 : memref<1x128xi32, #tpu.memory_space<vmem>> -> memref<128xi32, #tpu.memory_space<vmem>>
    %dma_wait3A_578 = arith.constant 0 : i32
    %dma_wait3A_579 = tpu.memref_slice %arg3[%dma_wait3A_578] : memref<100000xf32, #tpu.memory_space<hbm>> -> memref<100000xf32, #tpu.memory_space<hbm>>
    tpu.wait_indirect_dma semaphore(%arg20 : memref<!tpu.dma_semaphore, #tpu.memory_space<semaphore_mem>>) src(%dma_wait3A_579 : memref<100000xf32, #tpu.memory_space<hbm>>) dst(%dma_wait3A_574 : memref<128xf32, #tpu.memory_space<vmem>>)
    %get3A_580 = arith.constant 384 : index
    %get3A_581 = tpu.vector_load %arg9[%get3A_580] {strides = array<i32>} : memref<512xf32, #tpu.memory_space<vmem>>, vector<16xf32>,
    %get3A_582 = arith.constant 384 : index
    %get3A_583 = tpu.vector_load %arg10[%get3A_582] {strides = array<i32>} : memref<512xf32, #tpu.memory_space<vmem>>, vector<16xf32>,
    %sub3A_584 = arith.subf %get3A_581, %get3A_583 : vector<16xf32>
    %mul3A_585 = arith.constant 0.00287823146 : f32
    %mul3A_586 = vector.broadcast %mul3A_585 : f32 to vector<16xf32>
    %mul3A_587 = arith.mulf %mul3A_586, %sub3A_584 : vector<16xf32>
    %add3A_588 = arith.addf %mul3A_587, %gather3A : vector<16xf32>
    %swap3A_589 = arith.constant 384 : index
    %swap3A_590 = tpu.vector_load %arg12[%swap3A_589] {strides = array<i32>} : memref<512xf32, #tpu.memory_space<vmem>>, vector<16xf32>,
    tpu.vector_store %arg12[%swap3A_589], %add3A_588 {strides = array<i32>} : memref<512xf32, #tpu.memory_space<vmem>>, vector<16xf32>,
    %neg3A_591 = arith.constant 0.000000e+00 : f32
    %neg3A_592 = vector.broadcast %neg3A_591 : f32 to vector<16xf32>
    %neg3A_593 = arith.subf %neg3A_592, %add3A_588 : vector<16xf32>
    %swap3A_594 = arith.constant 384 : index
    %swap3A_595 = tpu.vector_load %arg13[%swap3A_594] {strides = array<i32>} : memref<512xf32, #tpu.memory_space<vmem>>, vector<16xf32>,
    tpu.vector_store %arg13[%swap3A_594], %neg3A_593 {strides = array<i32>} : memref<512xf32, #tpu.memory_space<vmem>>, vector<16xf32>,
    %get3A_596 = arith.constant 400 : index
    %get3A_597 = tpu.vector_load %arg9[%get3A_596] {strides = array<i32>} : memref<512xf32, #tpu.memory_space<vmem>>, vector<16xf32>,
    %get3A_598 = arith.constant 400 : index
    %get3A_599 = tpu.vector_load %arg10[%get3A_598] {strides = array<i32>} : memref<512xf32, #tpu.memory_space<vmem>>, vector<16xf32>,
    %sub3A_600 = arith.subf %get3A_597, %get3A_599 : vector<16xf32>
    %mul3A_601 = arith.constant 0.00287823146 : f32
    %mul3A_602 = vector.broadcast %mul3A_601 : f32 to vector<16xf32>
    %mul3A_603 = arith.mulf %mul3A_602, %sub3A_600 : vector<16xf32>
    %add3A_604 = arith.addf %mul3A_603, %gather3A : vector<16xf32>
    %swap3A_605 = arith.constant 400 : index
    %swap3A_606 = tpu.vector_load %arg12[%swap3A_605] {strides = array<i32>} : memref<512xf32, #tpu.memory_space<vmem>>, vector<16xf32>,
    tpu.vector_store %arg12[%swap3A_605], %add3A_604 {strides = array<i32>} : memref<512xf32, #tpu.memory_space<vmem>>, vector<16xf32>,
    %neg3A_607 = arith.constant 0.000000e+00 : f32
    %neg3A_608 = vector.broadcast %neg3A_607 : f32 to vector<16xf32>
    %neg3A_609 = arith.subf %neg3A_608, %add3A_604 : vector<16xf32>
    %swap3A_610 = arith.constant 400 : index
    %swap3A_611 = tpu.vector_load %arg13[%swap3A_610] {strides = array<i32>} : memref<512xf32, #tpu.memory_space<vmem>>, vector<16xf32>,
    tpu.vector_store %arg13[%swap3A_610], %neg3A_609 {strides = array<i32>} : memref<512xf32, #tpu.memory_space<vmem>>, vector<16xf32>,
    %get3A_612 = arith.constant 416 : index
    %get3A_613 = tpu.vector_load %arg9[%get3A_612] {strides = array<i32>} : memref<512xf32, #tpu.memory_space<vmem>>, vector<16xf32>,
    %get3A_614 = arith.constant 416 : index
    %get3A_615 = tpu.vector_load %arg10[%get3A_614] {strides = array<i32>} : memref<512xf32, #tpu.memory_space<vmem>>, vector<16xf32>,
    %sub3A_616 = arith.subf %get3A_613, %get3A_615 : vector<16xf32>
    %mul3A_617 = arith.constant 0.00287823146 : f32
    %mul3A_618 = vector.broadcast %mul3A_617 : f32 to vector<16xf32>
    %mul3A_619 = arith.mulf %mul3A_618, %sub3A_616 : vector<16xf32>
    %add3A_620 = arith.addf %mul3A_619, %gather3A : vector<16xf32>
    %swap3A_621 = arith.constant 416 : index
    %swap3A_622 = tpu.vector_load %arg12[%swap3A_621] {strides = array<i32>} : memref<512xf32, #tpu.memory_space<vmem>>, vector<16xf32>,
    tpu.vector_store %arg12[%swap3A_621], %add3A_620 {strides = array<i32>} : memref<512xf32, #tpu.memory_space<vmem>>, vector<16xf32>,
    %neg3A_623 = arith.constant 0.000000e+00 : f32
    %neg3A_624 = vector.broadcast %neg3A_623 : f32 to vector<16xf32>
    %neg3A_625 = arith.subf %neg3A_624, %add3A_620 : vector<16xf32>
    %swap3A_626 = arith.constant 416 : index
    %swap3A_627 = tpu.vector_load %arg13[%swap3A_626] {strides = array<i32>} : memref<512xf32, #tpu.memory_space<vmem>>, vector<16xf32>,
    tpu.vector_store %arg13[%swap3A_626], %neg3A_625 {strides = array<i32>} : memref<512xf32, #tpu.memory_space<vmem>>, vector<16xf32>,
    %get3A_628 = arith.constant 432 : index
    %get3A_629 = tpu.vector_load %arg9[%get3A_628] {strides = array<i32>} : memref<512xf32, #tpu.memory_space<vmem>>, vector<16xf32>,
    %get3A_630 = arith.constant 432 : index
    %get3A_631 = tpu.vector_load %arg10[%get3A_630] {strides = array<i32>} : memref<512xf32, #tpu.memory_space<vmem>>, vector<16xf32>,
    %sub3A_632 = arith.subf %get3A_629, %get3A_631 : vector<16xf32>
    %mul3A_633 = arith.constant 0.00287823146 : f32
    %mul3A_634 = vector.broadcast %mul3A_633 : f32 to vector<16xf32>
    %mul3A_635 = arith.mulf %mul3A_634, %sub3A_632 : vector<16xf32>
    %add3A_636 = arith.addf %mul3A_635, %gather3A : vector<16xf32>
    %swap3A_637 = arith.constant 432 : index
    %swap3A_638 = tpu.vector_load %arg12[%swap3A_637] {strides = array<i32>} : memref<512xf32, #tpu.memory_space<vmem>>, vector<16xf32>,
    tpu.vector_store %arg12[%swap3A_637], %add3A_636 {strides = array<i32>} : memref<512xf32, #tpu.memory_space<vmem>>, vector<16xf32>,
    %neg3A_639 = arith.constant 0.000000e+00 : f32
    %neg3A_640 = vector.broadcast %neg3A_639 : f32 to vector<16xf32>
    %neg3A_641 = arith.subf %neg3A_640, %add3A_636 : vector<16xf32>
    %swap3A_642 = arith.constant 432 : index
    %swap3A_643 = tpu.vector_load %arg13[%swap3A_642] {strides = array<i32>} : memref<512xf32, #tpu.memory_space<vmem>>, vector<16xf32>,
    tpu.vector_store %arg13[%swap3A_642], %neg3A_641 {strides = array<i32>} : memref<512xf32, #tpu.memory_space<vmem>>, vector<16xf32>,
    %get3A_644 = arith.constant 448 : index
    %get3A_645 = tpu.vector_load %arg9[%get3A_644] {strides = array<i32>} : memref<512xf32, #tpu.memory_space<vmem>>, vector<16xf32>,
    %get3A_646 = arith.constant 448 : index
    %get3A_647 = tpu.vector_load %arg10[%get3A_646] {strides = array<i32>} : memref<512xf32, #tpu.memory_space<vmem>>, vector<16xf32>,
    %sub3A_648 = arith.subf %get3A_645, %get3A_647 : vector<16xf32>
    %mul3A_649 = arith.constant 0.00287823146 : f32
    %mul3A_650 = vector.broadcast %mul3A_649 : f32 to vector<16xf32>
    %mul3A_651 = arith.mulf %mul3A_650, %sub3A_648 : vector<16xf32>
    %add3A_652 = arith.addf %mul3A_651, %gather3A : vector<16xf32>
    %swap3A_653 = arith.constant 448 : index
    %swap3A_654 = tpu.vector_load %arg12[%swap3A_653] {strides = array<i32>} : memref<512xf32, #tpu.memory_space<vmem>>, vector<16xf32>,
    tpu.vector_store %arg12[%swap3A_653], %add3A_652 {strides = array<i32>} : memref<512xf32, #tpu.memory_space<vmem>>, vector<16xf32>,
    %neg3A_655 = arith.constant 0.000000e+00 : f32
    %neg3A_656 = vector.broadcast %neg3A_655 : f32 to vector<16xf32>
    %neg3A_657 = arith.subf %neg3A_656, %add3A_652 : vector<16xf32>
    %swap3A_658 = arith.constant 448 : index
    %swap3A_659 = tpu.vector_load %arg13[%swap3A_658] {strides = array<i32>} : memref<512xf32, #tpu.memory_space<vmem>>, vector<16xf32>,
    tpu.vector_store %arg13[%swap3A_658], %neg3A_657 {strides = array<i32>} : memref<512xf32, #tpu.memory_space<vmem>>, vector<16xf32>,
    %get3A_660 = arith.constant 464 : index
    %get3A_661 = tpu.vector_load %arg9[%get3A_660] {strides = array<i32>} : memref<512xf32, #tpu.memory_space<vmem>>, vector<16xf32>,
    %get3A_662 = arith.constant 464 : index
    %get3A_663 = tpu.vector_load %arg10[%get3A_662] {strides = array<i32>} : memref<512xf32, #tpu.memory_space<vmem>>, vector<16xf32>,
    %sub3A_664 = arith.subf %get3A_661, %get3A_663 : vector<16xf32>
    %mul3A_665 = arith.constant 0.00287823146 : f32
    %mul3A_666 = vector.broadcast %mul3A_665 : f32 to vector<16xf32>
    %mul3A_667 = arith.mulf %mul3A_666, %sub3A_664 : vector<16xf32>
    %add3A_668 = arith.addf %mul3A_667, %gather3A : vector<16xf32>
    %swap3A_669 = arith.constant 464 : index
    %swap3A_670 = tpu.vector_load %arg12[%swap3A_669] {strides = array<i32>} : memref<512xf32, #tpu.memory_space<vmem>>, vector<16xf32>,
    tpu.vector_store %arg12[%swap3A_669], %add3A_668 {strides = array<i32>} : memref<512xf32, #tpu.memory_space<vmem>>, vector<16xf32>,
    %neg3A_671 = arith.constant 0.000000e+00 : f32
    %neg3A_672 = vector.broadcast %neg3A_671 : f32 to vector<16xf32>
    %neg3A_673 = arith.subf %neg3A_672, %add3A_668 : vector<16xf32>
    %swap3A_674 = arith.constant 464 : index
    %swap3A_675 = tpu.vector_load %arg13[%swap3A_674] {strides = array<i32>} : memref<512xf32, #tpu.memory_space<vmem>>, vector<16xf32>,
    tpu.vector_store %arg13[%swap3A_674], %neg3A_673 {strides = array<i32>} : memref<512xf32, #tpu.memory_space<vmem>>, vector<16xf32>,
    %get3A_676 = arith.constant 480 : index
    %get3A_677 = tpu.vector_load %arg9[%get3A_676] {strides = array<i32>} : memref<512xf32, #tpu.memory_space<vmem>>, vector<16xf32>,
    %get3A_678 = arith.constant 480 : index
    %get3A_679 = tpu.vector_load %arg10[%get3A_678] {strides = array<i32>} : memref<512xf32, #tpu.memory_space<vmem>>, vector<16xf32>,
    %sub3A_680 = arith.subf %get3A_677, %get3A_679 : vector<16xf32>
    %mul3A_681 = arith.constant 0.00287823146 : f32
    %mul3A_682 = vector.broadcast %mul3A_681 : f32 to vector<16xf32>
    %mul3A_683 = arith.mulf %mul3A_682, %sub3A_680 : vector<16xf32>
    %add3A_684 = arith.addf %mul3A_683, %gather3A : vector<16xf32>
    %swap3A_685 = arith.constant 480 : index
    %swap3A_686 = tpu.vector_load %arg12[%swap3A_685] {strides = array<i32>} : memref<512xf32, #tpu.memory_space<vmem>>, vector<16xf32>,
    tpu.vector_store %arg12[%swap3A_685], %add3A_684 {strides = array<i32>} : memref<512xf32, #tpu.memory_space<vmem>>, vector<16xf32>,
    %neg3A_687 = arith.constant 0.000000e+00 : f32
    %neg3A_688 = vector.broadcast %neg3A_687 : f32 to vector<16xf32>
    %neg3A_689 = arith.subf %neg3A_688, %add3A_684 : vector<16xf32>
    %swap3A_690 = arith.constant 480 : index
    %swap3A_691 = tpu.vector_load %arg13[%swap3A_690] {strides = array<i32>} : memref<512xf32, #tpu.memory_space<vmem>>, vector<16xf32>,
    tpu.vector_store %arg13[%swap3A_690], %neg3A_689 {strides = array<i32>} : memref<512xf32, #tpu.memory_space<vmem>>, vector<16xf32>,
    %get3A_692 = arith.constant 496 : index
    %get3A_693 = tpu.vector_load %arg9[%get3A_692] {strides = array<i32>} : memref<512xf32, #tpu.memory_space<vmem>>, vector<16xf32>,
    %get3A_694 = arith.constant 496 : index
    %get3A_695 = tpu.vector_load %arg10[%get3A_694] {strides = array<i32>} : memref<512xf32, #tpu.memory_space<vmem>>, vector<16xf32>,
    %sub3A_696 = arith.subf %get3A_693, %get3A_695 : vector<16xf32>
    %mul3A_697 = arith.constant 0.00287823146 : f32
    %mul3A_698 = vector.broadcast %mul3A_697 : f32 to vector<16xf32>
    %mul3A_699 = arith.mulf %mul3A_698, %sub3A_696 : vector<16xf32>
    %add3A_700 = arith.addf %mul3A_699, %gather3A : vector<16xf32>
    %swap3A_701 = arith.constant 496 : index
    %swap3A_702 = tpu.vector_load %arg12[%swap3A_701] {strides = array<i32>} : memref<512xf32, #tpu.memory_space<vmem>>, vector<16xf32>,
    tpu.vector_store %arg12[%swap3A_701], %add3A_700 {strides = array<i32>} : memref<512xf32, #tpu.memory_space<vmem>>, vector<16xf32>,
    %neg3A_703 = arith.constant 0.000000e+00 : f32
    %neg3A_704 = vector.broadcast %neg3A_703 : f32 to vector<16xf32>
    %neg3A_705 = arith.subf %neg3A_704, %add3A_700 : vector<16xf32>
    %swap3A_706 = arith.constant 496 : index
    %swap3A_707 = tpu.vector_load %arg13[%swap3A_706] {strides = array<i32>} : memref<512xf32, #tpu.memory_space<vmem>>, vector<16xf32>,
    tpu.vector_store %arg13[%swap3A_706], %neg3A_705 {strides = array<i32>} : memref<512xf32, #tpu.memory_space<vmem>>, vector<16xf32>,
    %add3A_708 = arith.constant 384 : i32
    %add3A_709 = arith.addi %mul3A_2, %add3A_708 : i32
    %dma_start3A_710 = arith.constant 384 : i32
    %dma_start3A_711 = tpu.memref_slice %arg12[%dma_start3A_710] : memref<512xf32, #tpu.memory_space<vmem>> -> memref<128xf32, #tpu.memory_space<vmem>>
    %dma_start3A_712 = tpu.memref_slice %arg5[%add3A_709] : memref<16384xf32, #tpu.memory_space<hbm>> -> memref<128xf32, #tpu.memory_space<hbm>>
    %dma_start3A_713 = tpu.memref_slice %arg5[%add3A_709] : memref<16384xf32, #tpu.memory_space<hbm>> -> memref<128xf32, #tpu.memory_space<hbm>>
    %dma_start3A_714 = arith.constant 384 : i32
    %dma_start3A_715 = tpu.memref_slice %arg12[%dma_start3A_714] : memref<512xf32, #tpu.memory_space<vmem>> -> memref<128xf32, #tpu.memory_space<vmem>>
    tpu.enqueue_dma source(%dma_start3A_715 : memref<128xf32, #tpu.memory_space<vmem>>) target(%dma_start3A_713 : memref<128xf32, #tpu.memory_space<hbm>>) target_semaphore(%arg21 : memref<!tpu.dma_semaphore, #tpu.memory_space<semaphore_mem>>)
    %add3A_716 = arith.constant 384 : i32
    %add3A_717 = arith.addi %mul3A_2, %add3A_716 : i32
    %dma_start3A_718 = arith.constant 384 : i32
    %dma_start3A_719 = tpu.memref_slice %arg13[%dma_start3A_718] : memref<512xf32, #tpu.memory_space<vmem>> -> memref<128xf32, #tpu.memory_space<vmem>>
    %dma_start3A_720 = tpu.memref_slice %arg6[%add3A_717] : memref<16384xf32, #tpu.memory_space<hbm>> -> memref<128xf32, #tpu.memory_space<hbm>>
    %dma_start3A_721 = tpu.memref_slice %arg6[%add3A_717] : memref<16384xf32, #tpu.memory_space<hbm>> -> memref<128xf32, #tpu.memory_space<hbm>>
    %dma_start3A_722 = arith.constant 384 : i32
    %dma_start3A_723 = tpu.memref_slice %arg13[%dma_start3A_722] : memref<512xf32, #tpu.memory_space<vmem>> -> memref<128xf32, #tpu.memory_space<vmem>>
    tpu.enqueue_dma source(%dma_start3A_723 : memref<128xf32, #tpu.memory_space<vmem>>) target(%dma_start3A_721 : memref<128xf32, #tpu.memory_space<hbm>>) target_semaphore(%arg21 : memref<!tpu.dma_semaphore, #tpu.memory_space<semaphore_mem>>)
    %dma_wait3A_724 = arith.constant 0 : i32
    %dma_wait3A_725 = tpu.memref_slice %arg12[%dma_wait3A_724] : memref<512xf32, #tpu.memory_space<vmem>> -> memref<128xf32, #tpu.memory_space<vmem>>
    %dma_wait3A_726 = tpu.memref_slice %arg5[%add3A_229] : memref<16384xf32, #tpu.memory_space<hbm>> -> memref<128xf32, #tpu.memory_space<hbm>>
    %dma_wait3A_727 = tpu.memref_slice %arg5[%add3A_229] : memref<16384xf32, #tpu.memory_space<hbm>> -> memref<128xf32, #tpu.memory_space<hbm>>
    %dma_wait3A_728 = arith.constant 0 : i32
    %dma_wait3A_729 = tpu.memref_slice %arg12[%dma_wait3A_728] : memref<512xf32, #tpu.memory_space<vmem>> -> memref<128xf32, #tpu.memory_space<vmem>>
    tpu.wait_dma2 semaphore(%arg21 : memref<!tpu.dma_semaphore, #tpu.memory_space<semaphore_mem>>) src(%dma_wait3A_729 : memref<128xf32, #tpu.memory_space<vmem>>) dst(%dma_wait3A_727 : memref<128xf32, #tpu.memory_space<hbm>>)
    %dma_wait3A_730 = arith.constant 0 : i32
    %dma_wait3A_731 = tpu.memref_slice %arg13[%dma_wait3A_730] : memref<512xf32, #tpu.memory_space<vmem>> -> memref<128xf32, #tpu.memory_space<vmem>>
    %dma_wait3A_732 = tpu.memref_slice %arg6[%add3A_237] : memref<16384xf32, #tpu.memory_space<hbm>> -> memref<128xf32, #tpu.memory_space<hbm>>
    %dma_wait3A_733 = tpu.memref_slice %arg6[%add3A_237] : memref<16384xf32, #tpu.memory_space<hbm>> -> memref<128xf32, #tpu.memory_space<hbm>>
    %dma_wait3A_734 = arith.constant 0 : i32
    %dma_wait3A_735 = tpu.memref_slice %arg13[%dma_wait3A_734] : memref<512xf32, #tpu.memory_space<vmem>> -> memref<128xf32, #tpu.memory_space<vmem>>
    tpu.wait_dma2 semaphore(%arg21 : memref<!tpu.dma_semaphore, #tpu.memory_space<semaphore_mem>>) src(%dma_wait3A_735 : memref<128xf32, #tpu.memory_space<vmem>>) dst(%dma_wait3A_733 : memref<128xf32, #tpu.memory_space<hbm>>)
    %dma_wait3A_736 = arith.constant 128 : i32
    %dma_wait3A_737 = tpu.memref_slice %arg12[%dma_wait3A_736] : memref<512xf32, #tpu.memory_space<vmem>> -> memref<128xf32, #tpu.memory_space<vmem>>
    %dma_wait3A_738 = tpu.memref_slice %arg5[%add3A_389] : memref<16384xf32, #tpu.memory_space<hbm>> -> memref<128xf32, #tpu.memory_space<hbm>>
    %dma_wait3A_739 = tpu.memref_slice %arg5[%add3A_389] : memref<16384xf32, #tpu.memory_space<hbm>> -> memref<128xf32, #tpu.memory_space<hbm>>
    %dma_wait3A_740 = arith.constant 128 : i32
    %dma_wait3A_741 = tpu.memref_slice %arg12[%dma_wait3A_740] : memref<512xf32, #tpu.memory_space<vmem>> -> memref<128xf32, #tpu.memory_space<vmem>>
    tpu.wait_dma2 semaphore(%arg21 : memref<!tpu.dma_semaphore, #tpu.memory_space<semaphore_mem>>) src(%dma_wait3A_741 : memref<128xf32, #tpu.memory_space<vmem>>) dst(%dma_wait3A_739 : memref<128xf32, #tpu.memory_space<hbm>>)
    %dma_wait3A_742 = arith.constant 128 : i32
    %dma_wait3A_743 = tpu.memref_slice %arg13[%dma_wait3A_742] : memref<512xf32, #tpu.memory_space<vmem>> -> memref<128xf32, #tpu.memory_space<vmem>>
    %dma_wait3A_744 = tpu.memref_slice %arg6[%add3A_397] : memref<16384xf32, #tpu.memory_space<hbm>> -> memref<128xf32, #tpu.memory_space<hbm>>
    %dma_wait3A_745 = tpu.memref_slice %arg6[%add3A_397] : memref<16384xf32, #tpu.memory_space<hbm>> -> memref<128xf32, #tpu.memory_space<hbm>>
    %dma_wait3A_746 = arith.constant 128 : i32
    %dma_wait3A_747 = tpu.memref_slice %arg13[%dma_wait3A_746] : memref<512xf32, #tpu.memory_space<vmem>> -> memref<128xf32, #tpu.memory_space<vmem>>
    tpu.wait_dma2 semaphore(%arg21 : memref<!tpu.dma_semaphore, #tpu.memory_space<semaphore_mem>>) src(%dma_wait3A_747 : memref<128xf32, #tpu.memory_space<vmem>>) dst(%dma_wait3A_745 : memref<128xf32, #tpu.memory_space<hbm>>)
    %dma_wait3A_748 = arith.constant 256 : i32
    %dma_wait3A_749 = tpu.memref_slice %arg12[%dma_wait3A_748] : memref<512xf32, #tpu.memory_space<vmem>> -> memref<128xf32, #tpu.memory_space<vmem>>
    %dma_wait3A_750 = tpu.memref_slice %arg5[%add3A_549] : memref<16384xf32, #tpu.memory_space<hbm>> -> memref<128xf32, #tpu.memory_space<hbm>>
    %dma_wait3A_751 = tpu.memref_slice %arg5[%add3A_549] : memref<16384xf32, #tpu.memory_space<hbm>> -> memref<128xf32, #tpu.memory_space<hbm>>
    %dma_wait3A_752 = arith.constant 256 : i32
    %dma_wait3A_753 = tpu.memref_slice %arg12[%dma_wait3A_752] : memref<512xf32, #tpu.memory_space<vmem>> -> memref<128xf32, #tpu.memory_space<vmem>>
    tpu.wait_dma2 semaphore(%arg21 : memref<!tpu.dma_semaphore, #tpu.memory_space<semaphore_mem>>) src(%dma_wait3A_753 : memref<128xf32, #tpu.memory_space<vmem>>) dst(%dma_wait3A_751 : memref<128xf32, #tpu.memory_space<hbm>>)
    %dma_wait3A_754 = arith.constant 256 : i32
    %dma_wait3A_755 = tpu.memref_slice %arg13[%dma_wait3A_754] : memref<512xf32, #tpu.memory_space<vmem>> -> memref<128xf32, #tpu.memory_space<vmem>>
    %dma_wait3A_756 = tpu.memref_slice %arg6[%add3A_557] : memref<16384xf32, #tpu.memory_space<hbm>> -> memref<128xf32, #tpu.memory_space<hbm>>
    %dma_wait3A_757 = tpu.memref_slice %arg6[%add3A_557] : memref<16384xf32, #tpu.memory_space<hbm>> -> memref<128xf32, #tpu.memory_space<hbm>>
    %dma_wait3A_758 = arith.constant 256 : i32
    %dma_wait3A_759 = tpu.memref_slice %arg13[%dma_wait3A_758] : memref<512xf32, #tpu.memory_space<vmem>> -> memref<128xf32, #tpu.memory_space<vmem>>
    tpu.wait_dma2 semaphore(%arg21 : memref<!tpu.dma_semaphore, #tpu.memory_space<semaphore_mem>>) src(%dma_wait3A_759 : memref<128xf32, #tpu.memory_space<vmem>>) dst(%dma_wait3A_757 : memref<128xf32, #tpu.memory_space<hbm>>)
    %dma_wait3A_760 = arith.constant 384 : i32
    %dma_wait3A_761 = tpu.memref_slice %arg12[%dma_wait3A_760] : memref<512xf32, #tpu.memory_space<vmem>> -> memref<128xf32, #tpu.memory_space<vmem>>
    %dma_wait3A_762 = tpu.memref_slice %arg5[%add3A_709] : memref<16384xf32, #tpu.memory_space<hbm>> -> memref<128xf32, #tpu.memory_space<hbm>>
    %dma_wait3A_763 = tpu.memref_slice %arg5[%add3A_709] : memref<16384xf32, #tpu.memory_space<hbm>> -> memref<128xf32, #tpu.memory_space<hbm>>
    %dma_wait3A_764 = arith.constant 384 : i32
    %dma_wait3A_765 = tpu.memref_slice %arg12[%dma_wait3A_764] : memref<512xf32, #tpu.memory_space<vmem>> -> memref<128xf32, #tpu.memory_space<vmem>>
    tpu.wait_dma2 semaphore(%arg21 : memref<!tpu.dma_semaphore, #tpu.memory_space<semaphore_mem>>) src(%dma_wait3A_765 : memref<128xf32, #tpu.memory_space<vmem>>) dst(%dma_wait3A_763 : memref<128xf32, #tpu.memory_space<hbm>>)
    %dma_wait3A_766 = arith.constant 384 : i32
    %dma_wait3A_767 = tpu.memref_slice %arg13[%dma_wait3A_766] : memref<512xf32, #tpu.memory_space<vmem>> -> memref<128xf32, #tpu.memory_space<vmem>>
    %dma_wait3A_768 = tpu.memref_slice %arg6[%add3A_717] : memref<16384xf32, #tpu.memory_space<hbm>> -> memref<128xf32, #tpu.memory_space<hbm>>
    %dma_wait3A_769 = tpu.memref_slice %arg6[%add3A_717] : memref<16384xf32, #tpu.memory_space<hbm>> -> memref<128xf32, #tpu.memory_space<hbm>>
    %dma_wait3A_770 = arith.constant 384 : i32
    %dma_wait3A_771 = tpu.memref_slice %arg13[%dma_wait3A_770] : memref<512xf32, #tpu.memory_space<vmem>> -> memref<128xf32, #tpu.memory_space<vmem>>
    tpu.wait_dma2 semaphore(%arg21 : memref<!tpu.dma_semaphore, #tpu.memory_space<semaphore_mem>>) src(%dma_wait3A_771 : memref<128xf32, #tpu.memory_space<vmem>>) dst(%dma_wait3A_769 : memref<128xf32, #tpu.memory_space<hbm>>)
    return
  }
}

</mosaic_0001>

<sc_bundles>
// kernel: kernel.3.cloned.1.call-start
scs
__scs_entry_jumppad:
0x0: {  	(pc) =	sbr.rel $0x88, $3  }
0x1: {  	(tag) =	ssettag $0x0;
	lr =	simm.s32 $0x1  }
0x2: {  	[smem:$0x3F9D] =	sst lr;
	_ =	strace $0xD0000000  }
0x3: {  	_ = 	snop  }
0x4: {  	_ = 	snop  }
0x5: {  	_ = 	snop  }
0x6: {  	_ = 	snop  }
0x7: {  	_ = 	snop  }
__scs_overlays_trampoline_lowered:
0x8: {  	[smem:$0x3FAC] =	sst s0  }
0x9: {  	[smem:$0x3FAD] =	sst s1  }
0xa: {  	[smem:$0x3FAE] =	sst s2  }
0xb: {  	[smem:$0x3FAF] =	sst s3  }
0xc: {  	[smem:$0x3FB0] =	sst s4  }
0xd: {  	[smem:$0x3FB1] =	sst s5  }
0xe: {  	[smem:$0x3FB2] =	sst s6  }
0xf: {  	[smem:$0x3FB3] =	sst s7  }
0x10: {  	[smem:$0x3FB4] =	sst s8  }
0x11: {  	[smem:$0x3FB5] =	sst s9;
	s0 =	simm.s32 @!p0 $0x0  }
0x12: {  	s1 =	sld [smem:$0x3F9B];
	s0 =	simm.s32 @p0 $0x1  }
0x13: {  	[smem:$0x3FB6] =	sst s0;
	s0 =	simm.s32 @!p1 $0x0  }
0x14: {  	s2 =	sld [smem:$0x3F9A];
	s0 =	simm.s32 @p1 $0x1  }
0x15: {  	[smem:$0x3FB7] =	sst s0;
	s0 =	simm.s32 @!p2 $0x0  }
0x16: {  	s3 =	sld [smem:$0x3FDB];
	s0 =	simm.s32 @p2 $0x1  }
0x17: {  	s4 =	simm.s32 $0x1BF5;
	[smem:$0x3FB9] =	sst s0  }
0x18: {  	s0 =	sld [smem:$0x3F9C];
	_ =	swait.ge [sflag:s4], $0x0  }
0x19: {  	s7 =	sld [smem:$0x3F9D]  }
0x1a: {  	s8 =	sadd.s32 $0xFFFFE003, lr  }
0x1b: {  	s9 =	sadd.s32 $0xFFFFFEF7, lr;
	s5 =	simm.s32 $0xFFFFFFFF;
	p2 =	slt.u32 s8, $0xFFFFF086  }
0x1c: {  	p1 =	slt.u32 s9, $0xF7A;
	s5 =	simm.s32 @!p2 $0x0  }
0x1d: {  	s5 =	simm.s32 @p1 $0x1;
	p0 =	seq.s32 s7, s2  }
0x1e: {  	s7 =	smul.u32 @!p0 $0xF7A, s2;
	p2 =	seq.s32 @!p0 s5, $0x0  }
0x1f: {  	s9 =	smul.u32 $0xF7A, s1;
	s8 =	simm.s32 @!p0 $0x1BF5;
	p2 =	por !p2, p0  }
0x20: {  	[sflag:s8] =	ssyncset.s32 @!p0 $0xFFFFF086;
	s6 =	sadd.s32 @!p0 s3, s7;
	s7 =	simm.s32 @!p0 $0x108  }
0x21: {  	s3 =	sadd.s32 s3, s9;
	s6 =	sadd.s32 @!p0 $0x88, s6;
	s7 =	simm.s32 @p2 $0x1082  }
0x22: {  	[simem:s7], [sflag:s8] =	dma.local @!p0 [hbm:s6], $0xF7A  }
0x23: {  	s9 =	sor.u32 $0xD0000000, s2;
	s6 =	simm.s32 $0x108;
	_ =	swait.ge @!p0 [sflag:s8], $0x0  }
0x24: {  	s3 =	sadd.s32 $0x88, s3;
	s6 =	simm.s32 @!p1 $0x1082;
	[sflag:s4] =	ssyncset.s32 $0xFFFFF086  }
0x25: {  	[simem:s6], [sflag:s4] =	dma.local [hbm:s3], $0xF7A  }
0x26: {  	[smem:$0x3F9D] =	sst s1;
	(tag) =	ssettag s2;
	_ =	strace s9  }
0x27: {  	s1 =	sld [smem:$0x3FAD]  }
0x28: {  	s2 =	sld [smem:$0x3FAE]  }
0x29: {  	s4 =	sld [smem:$0x3FB0]  }
0x2a: {  	p0 =	seq.s32 s5, $0x0;
	s5 =	sld [smem:$0x3FB1]  }
0x2b: {  	s6 =	sld [smem:$0x3FB2]  }
0x2c: {  	s7 =	sld [smem:$0x3FB3]  }
0x2d: {  	s3 =	simm.s32 $0x108;
	s8 =	sld [smem:$0x3FB4]  }
0x2e: {  	s3 =	simm.s32 @!p0 $0x1082;
	s9 =	sld [smem:$0x3FB5]  }
0x2f: {  	lr =	sadd.s32 s0, s3;
	s0 =	sld [smem:$0x3FAC]  }
0x30: {  	s3 =	sld [smem:$0x3FAF]  }
0x31: {  	[smem:$0x3FB8] =	sst s10  }
0x32: {  	s10 =	sld [smem:$0x3FB6];
	_ =	sdelay $0x3  }
0x33: {  	p0 =	seq.s32 s10, $0x1;
	s10 =	sld [smem:$0x3FB8];
	_ =	sdelay $0x3  }
0x34: {  	[smem:$0x3FB8] =	sst s10  }
0x35: {  	s10 =	sld [smem:$0x3FB7];
	_ =	sdelay $0x3  }
0x36: {  	p1 =	seq.s32 s10, $0x1;
	s10 =	sld [smem:$0x3FB8];
	_ =	sdelay $0x3  }
0x37: {  	[smem:$0x3FB8] =	sst s10  }
0x38: {  	s10 =	sld [smem:$0x3FB9]  }
0x39: {  	_ = 	snop;
	(pc) =	sbr.ind lr, $3  }
0x3a: {  	_ = 	snop  }
0x3b: {  	_ = 	snop  }
0x3c: {  	p2 =	seq.s32 s10, $0x1;
	s10 =	sld [smem:$0x3FB8]  }
0x3d: {  	_ =	shalt  }
0x3e: {  	_ =	shalt  }
0x3f: {  	_ =	shalt  }
0x40: {  	_ =	shalt  }
0x41: {  	_ =	shalt  }
0x42: {  	_ =	shalt  }
0x43: {  	_ =	shalt  }
0x44: {  	_ =	shalt  }
0x45: {  	_ =	shalt  }
0x46: {  	_ =	shalt  }
0x47: {  	_ =	shalt  }
0x48: {  	_ =	shalt  }
0x49: {  	_ =	shalt  }
0x4a: {  	_ =	shalt  }
0x4b: {  	_ =	shalt  }
0x4c: {  	_ =	shalt  }
0x4d: {  	_ =	shalt  }
0x4e: {  	_ =	shalt  }
0x4f: {  	_ =	shalt  }
0x50: {  	_ =	shalt  }
0x51: {  	_ =	shalt  }
0x52: {  	_ =	shalt  }
0x53: {  	_ =	shalt  }
0x54: {  	_ =	shalt  }
0x55: {  	_ =	shalt  }
0x56: {  	_ =	shalt  }
0x57: {  	_ =	shalt  }
0x58: {  	_ =	shalt  }
0x59: {  	_ =	shalt  }
0x5a: {  	_ =	shalt  }
0x5b: {  	_ =	shalt  }
0x5c: {  	_ =	shalt  }
0x5d: {  	_ =	shalt  }
0x5e: {  	_ =	shalt  }
0x5f: {  	_ =	shalt  }
0x60: {  	_ =	shalt  }
0x61: {  	_ =	shalt  }
0x62: {  	_ =	shalt  }
0x63: {  	_ =	shalt  }
0x64: {  	_ =	shalt  }
0x65: {  	_ =	shalt  }
0x66: {  	_ =	shalt  }
0x67: {  	_ =	shalt  }
0x68: {  	_ =	shalt  }
0x69: {  	_ =	shalt  }
0x6a: {  	_ =	shalt  }
0x6b: {  	_ =	shalt  }
0x6c: {  	_ =	shalt  }
0x6d: {  	_ =	shalt  }
0x6e: {  	_ =	shalt  }
0x6f: {  	_ =	shalt  }
0x70: {  	_ =	shalt  }
0x71: {  	_ =	shalt  }
0x72: {  	_ =	shalt  }
0x73: {  	_ =	shalt  }
0x74: {  	_ =	shalt  }
0x75: {  	_ =	shalt  }
0x76: {  	_ =	shalt  }
0x77: {  	_ =	shalt  }
0x78: {  	_ =	shalt  }
0x79: {  	_ =	shalt  }
0x7a: {  	_ =	shalt  }
0x7b: {  	_ =	shalt  }
0x7c: {  	_ =	shalt  }
0x7d: {  	_ =	shalt  }
0x7e: {  	_ =	shalt  }
0x7f: {  	_ =	shalt  }
0x80: {  	_ =	shalt  }
0x81: {  	_ =	shalt  }
0x82: {  	_ =	shalt  }
0x83: {  	_ =	shalt  }
0x84: {  	_ =	shalt  }
0x85: {  	_ =	shalt  }
0x86: {  	_ =	shalt  }
0x87: {  	_ =	shalt  }
.Lfunc_end0:
.L_simem_size_0:
called_computation_lowered:
.L_overlay_start_0:
0x88: {  	s2 =	sld [smem:$0x3FD9]  }
0x89: {  	s3 =	sld [smem:$0x3FFE];
	_ =	sdelay $0x1  }
0x8a: {  	s1 =	srdreg.scid  }
0x8b: {  	s0 =	sand.u32 $0x1, s1  }
0x8c: {  	s17 =	sshll.u32 s0, $0xA;
	s2 =	sadd.s32 s3, s2  }
0x8d: {  	s2 =	sadd.s32 s2, s17  }
0x8e: {  	[smem:$0x3FC4] =	sst s2  }
0x8f: {  	_ = 	snop  }
0x90: {  	s2 =	sld [smem:$0x3FC8]  }
0x91: {  	s18 =	sld [smem:$0x3FC6]  }
0x92: {  	s4 =	sld [smem:$0x3FD0];
	(tm) =	ssettm $0x1  }
0x93: {  	s5 =	sld [smem:$0x3FFB];
	_ =	sdelay $0x3  }
0x94: {  	_ =	strace s5  }
0x95: {  	s5 =	sld [smem:$0x3FFC];
	_ =	sdelay $0x3  }
0x96: {  	_ =	strace s5  }
0x97: {  	s5 =	sld [smem:$0x3FFD];
	_ =	sdelay $0x3  }
0x98: {  	_ =	strace s5  }
0x99: {  	_ =	strace $0x8FFFFFFF  }
0x9a: {  	s19 =	sld [smem:$0x3FDB];
	_ =	sdelay $0x1  }
0x9b: {  	s6 =	simm.s32 $_scs_section_size  }
0x9c: {  	s7 =	simm.s32 $_size__tile_overlayer_lowered;
	s8 =	simm.s32 $_tile_overlayer_lowered  }
0x9d: {  	s22 =	simm.s32 $0x1BFF;
	s21 =	sshll.u32 s8, $0x1;
	s5 =	sadd.s32 s6, s19  }
0x9e: {  	s9 =	simm.s32 $0x0;
	s20 =	sshll.u32 s7, $0x1;
	s7 =	sadd.s32 s21, s5  }
0x9f: {  	[timem:s9], [sflag:s22] =	dma.local [hbm:s7], s20  }
0xa0: {  	_ =	swait.ge [sflag:s22], s20  }
0xa1: {  	s6 =	ssub.s32 $0x0, s20;
	[sflag:s22] =	ssyncset.done $0x0  }
0xa2: {  	[sflag:s22] =	ssyncadd.s32 s6;
	_ =	sdelay $0x1  }
0xa3: {  	s23 =	simm.s32 $0x1B8B  }
0xa4: {  	_ =	swait.ge [sflag:s23], $0x1  }
0xa5: {  	[sflag:s23] =	ssyncset.done $0x0  }
0xa6: {  	s25 =	simm.s32 $0x1B8E;
	s24 =	sld [smem:$0x3FFE];
	[sflag:s23] =	ssyncadd.s32 $0xFFFFFFFF  }
0xa7: {  	s26 =	simm.s32 $execute0_lowered;
	[smem:$0x3FD2] =	sst s25  }
0xa8: {  	s7 =	sshll.u32 s26, $0x1;
	_ =	strace $0x80000046;
	[dreg:$0x1] =	wrdreg $0xFFFFFFFF  }
0xa9: {  	s28 =	simm.s32 $_size_execute0_lowered;
	s5 =	sadd.s32 s5, s7;
	[dreg:$0x0] =	wrdreg $0x0  }
0xaa: {  	s7 =	sshll.u32 s28, $0x1;
	[dreg:$0x2] =	wrdreg s5  }
0xab: {  	[dreg:$0x3] =	wrdreg s7  }
0xac: {  	[dreg:$0x4] =	wrdreg $0xC0  }
0xad: {  	_ =	task [dreg:s9], $0x5FFFF  }
0xae: {  	[dreg:$0x1] =	wrdreg $0xFFFFFFFF  }
0xaf: {  	[dreg:$0x0] =	wrdreg $0x60  }
0xb0: {  	[dreg:$0x2] =	wrdreg s4  }
0xb1: {  	[dreg:$0x3] =	wrdreg s2  }
0xb2: {  	[dreg:$0x4] =	wrdreg s18  }
0xb3: {  	[dreg:$0x5] =	wrdreg s24  }
0xb4: {  	[dreg:$0x6] =	wrdreg $0x9  }
0xb5: {  	_ =	task.clear_ibuf [dreg:s9], $0x7FFFF;
	_ =	strace $0x90000046  }
0xb6: {  	s29 =	simm.s32 $0x9;
	_ =	strace $0x80000048  }
0xb7: {  	_ =	swait.ge [sflag:s29], $0x1  }
0xb8: {  	[sflag:s29] =	ssyncadd.s32 $0xFFFFFFFF  }
0xb9: {  	_ =	strace $0x90000048  }
0xba: {  	_ =	sfence  }
0xbb: {  	s30 =	sld [smem:$0x0];
	_ =	sdelay $0x2  }
0xbc: {  	s31 =	sshll.u32 s1, $0xD;
	s1 =	sshrl.u32 s1, $0x2  }
0xbd: {  	s3 =	sand.u32 $0x4000, s31;
	s1 =	sadd.s32 s1, s30  }
0xbe: {  	s0 =	sor.u32 s3, s0;
	s1 =	sshll.u32 s1, $0x11  }
0xbf: {  	s0 =	sor.u32 s1, s0  }
0xc0: {  	s0 =	sadd.s32 $0x8F2B, s0  }
0xc1: {  	[sflag:s0] =	ssyncadd.remote.s32 $0x1  }
0xc2: {  	_ =	sfence.sel $0xFFFF  }
0xc3: {  	[dreg:$0x0] =	wrdreg $0xFFFFFFFF;
	(pc) =	sbr.abs _section_cstart, $3  }
0xc4: {  	[dreg:$0x1] =	wrdreg $0xFFFFFFFF  }
0xc5: {  	_ =	task.clear_ibuf [dreg:s9], $0x2FFFF;
	_ =	strace $0x9FFFFFFF  }
0xc6: {  	(tm) =	ssettm $0x7FFFFFFF  }
0xc7: {  	_ =	shalt  }
tec
execute0_lowered:
.L_overlay_start_1:
0x0: {  	(tag) =	ssettag $0x1  }
0x1: {  	s2 =	rddreg [dreg:$0x0]  }
0x2: {  	s1 =	rddreg [dreg:$0x1]  }
0x3: {  	s0 =	rddreg [dreg:$0x2]  }
0x4: {  	s3 =	srdreg.scid;
	s10 =	stileid.u32  }
0x5: {  	s6 =	rddreg [dreg:$0x3];
	s21 =	simm.s32 $0x400;
	s22 =	simm.s32 $0x480  }
0x6: {  	s23 =	simm.s32 $0x100;
	s24 =	simm.s32 $0x500;
	s25 =	simm.s32 $0x180  }
0x7: {  	[dreg:$0x5] =	wrdreg s0;
	s5 =	sand.u32 $0x1, s3;
	s3 =	simm.s32 $0x0  }
0x8: {  	s26 =	simm.s32 $0x580;
	s28 =	simm.s32 $0xB80;
	[smem:$0x7FF] =	sst s3  }
0x9: {  	s29 =	simm.s32 $0x7;
	_ =	strace $0x80000047;
	[dreg:$0xf] =	wrdreg s21  }
0xa: {  	s30 =	simm.s32 $0xA00;
	s31 =	simm.s32 $0xC00;
	[dreg:$0x10] =	wrdreg s22  }
0xb: {  	s4 =	sshll.u32 s10, $0x7;
	s11 =	sadd.s32 $0x800, s6;
	[dreg:$0x11] =	wrdreg s23  }
0xc: {  	s6 =	sadd.s32 $0x1000, s6;
	s10 =	simm.s32 $0x2;
	[dreg:$0x12] =	wrdreg s24  }
0xd: {  	s7 =	sshll.u32 s5, $0x6;
	s5 =	ssub.s32 $0x2, s5;
	[dreg:$0x13] =	wrdreg s25  }
0xe: {  	s7 =	sor.u32 s7, s4;
	s20 =	sshrl.u32 s5, $0x1;
	[dreg:$0x14] =	wrdreg s26  }
0xf: {  	s21 =	simm.s32 $0xA80;
	s22 =	simm.s32 $0x5;
	s23 =	simm.s32 $0x900  }
0x10: {  	s24 =	simm.s32 $0xB00;
	s25 =	simm.s32 $0x6;
	s26 =	simm.s32 $0x980  }
0x11: {  	s4 =	sadd.s32 s2, s7;
	s12 =	sadd.s32 s11, s7;
	s13 =	sadd.s32 s6, s7  }
0x12: {  	s9 =	sor.u32 $0x10, s7;
	s16 =	sor.u32 $0x20, s7;
	[dreg:$0x7] =	wrdreg s12  }
0x13: {  	s7 =	sor.u32 $0x30, s7;
	s8 =	sadd.s32 $0x800, s4;
	[dreg:$0x8] =	wrdreg s13  }
0x14: {  	s5 =	ssub.s32 s5, s20;
	s14 =	sadd.s32 s11, s9;
	[dreg:$0x6] =	wrdreg s8  }
0x15: {  	s20 =	simm.s32 $0x880;
	s15 =	sadd.s32 s6, s9;
	[dreg:$0x9] =	wrdreg s14  }
0x16: {  	s17 =	sadd.s32 s11, s16;
	s18 =	sadd.s32 s6, s16;
	[dreg:$0xa] =	wrdreg s15  }
0x17: {  	s2 =	sadd.s32 s11, s7;
	s19 =	sadd.s32 s6, s7;
	[dreg:$0xb] =	wrdreg s17  }
0x18: {  	s5 =	smax.u32 s5, $0x1;
	s6 =	simm.s32 $0x200;
	[dreg:$0xc] =	wrdreg s18  }
0x19: {  	s7 =	simm.s32 $0x800;
	s9 =	simm.s32 $0x80;
	[dreg:$0xd] =	wrdreg s2  }
0x1a: {  	s16 =	simm.s32 $0x380;
	[dreg:$0xe] =	wrdreg s19;
	s8 =	simm.s32 $0x1  }
0x1b: {  	s14 =	simm.s32 $0x300;
	s15 =	simm.s32 $0x700;
	s17 =	simm.s32 $0x780  }
0x1c: {  	s18 =	simm.s32 $0x3;
	s19 =	simm.s32 $0x4;
	s2 =	simm.s32 $0x8  }
.LBB2_1:
0x1d: {  	[tilespmem:s3], [sflag:$0x1] =	stream.linear.gather [hbm4b:s4+s3], $0x200, $0x38;
	[tilespmem:$0xC80] =	vst v63  }
0x1e: {  	s0 =	rddreg [dreg:$0x6]  }
0x1f: {  	[tilespmem:s6], [sflag:$0x2] =	stream.linear.gather [hbm4b:s0+s3], $0x200, $0x38;
	[tilespmem:$0xC80] =	vst v63  }
0x20: {  	s11 =	rddreg [dreg:$0x5]  }
0x21: {  	[tilespmem:s7], [sflag:$0x3] =	stream.linear.gather [hbm4b:s11+s3], $0x80, $0x38;
	[tilespmem:$0xC80] =	vst v63  }
0x22: {  	_ =	swait.ge [sflag:s8], $0x200  }
0x23: {  	s12 =	rddreg [dreg:$0xf]  }
0x24: {  	[sflag:s8] =	ssyncset.done $0x0;
	s13 =	rddreg [dreg:$0x10]  }
0x25: {  	s0 =	rddreg [dreg:$0x11];
	[sflag:s8] =	ssyncadd.s32 $0xFFFFFE00  }
0x26: {  	[tilespmem:s12], [sflag:$0x4] =	stream.indirect.gather [hbm4b:s1+s9], $0x1, s3, s9, $0xb8;
	[tilespmem:$0xC80] =	vst v63  }
0x27: {  	s11 =	rddreg [dreg:$0x12]  }
0x28: {  	[tilespmem:s13], [sflag:$0x5] =	stream.indirect.gather [hbm4b:s1+s9], $0x1, s9, s9, $0xb8;
	[tilespmem:$0xC80] =	vst v63  }
0x29: {  	s12 =	rddreg [dreg:$0x13]  }
0x2a: {  	[tilespmem:s11], [sflag:$0x6] =	stream.indirect.gather [hbm4b:s1+s9], $0x1, s0, s9, $0xb8;
	[tilespmem:$0xC80] =	vst v63  }
0x2b: {  	s13 =	rddreg [dreg:$0x14]  }
0x2c: {  	[tilespmem:s13], [sflag:$0x7] =	stream.indirect.gather [hbm4b:s1+s9], $0x1, s12, s9, $0xb8;
	[tilespmem:$0xC80] =	vst v63  }
0x2d: {  	_ =	swait.ge [sflag:s10], $0x200  }
0x2e: {  	[sflag:s10] =	ssyncset.done $0x0  }
0x2f: {  	s11 =	simm.s32 $0x600;
	[sflag:s10] =	ssyncadd.s32 $0xFFFFFE00  }
0x30: {  	[tilespmem:s11], [sflag:$0x4] =	stream.indirect.gather [hbm4b:s1+s9], $0x1, s6, s9, $0xb8;
	[tilespmem:$0xC80] =	vst v63  }
0x31: {  	s12 =	simm.s32 $0x280;
	s13 =	simm.s32 $0x680  }
0x32: {  	[tilespmem:s13], [sflag:$0x5] =	stream.indirect.gather [hbm4b:s1+s9], $0x1, s12, s9, $0xb8;
	[tilespmem:$0xC80] =	vst v63  }
0x33: {  	_ = 	snop  }
0x34: {  	[tilespmem:s15], [sflag:$0x6] =	stream.indirect.gather [hbm4b:s1+s9], $0x1, s14, s9, $0xb8;
	[tilespmem:$0xC80] =	vst v63  }
0x35: {  	_ = 	snop  }
0x36: {  	[tilespmem:s17], [sflag:$0x7] =	stream.indirect.gather [hbm4b:s1+s9], $0x1, s16, s9, $0xb8;
	[tilespmem:$0xC80] =	vst v63  }
0x37: {  	_ =	swait.ge [sflag:s18], $0x80  }
0x38: {  	[sflag:s18] =	ssyncset.done $0x0  }
0x39: {  	[sflag:s18] =	ssyncadd.s32 $0xFFFFFF80  }
0x3a: {  	v0 =	vld.msk [tilespmem:s7+$0x0], $0xffff;
	_ =	swait.ge [sflag:s19], $0x80  }
0x3b: {  	[sflag:s19] =	ssyncset.done $0x0  }
0x3c: {  	[sflag:s19] =	ssyncadd.s32 $0xFFFFFF80  }
0x3d: {  	_ =	swait.ge [sflag:s19], $0x80  }
0x3e: {  	[sflag:s19] =	ssyncset.done $0x0  }
0x3f: {  	[sflag:s19] =	ssyncadd.s32 $0xFFFFFF80  }
0x40: {  	v1 =	vld [tilespmem:$0x400]  }
0x41: {  	v2 =	vld [tilespmem:$0x600]  }
0x42: {  	v3 =	vld [tilespmem:$0x410]  }
0x43: {  	v4 =	vld [tilespmem:$0x610]  }
0x44: {  	v5 =	vld [tilespmem:$0x420]  }
0x45: {  	v6 =	vld [tilespmem:$0x620]  }
0x46: {  	v55 =	vld [tilespmem:$0x430]  }
0x47: {  	v7 =	vld [tilespmem:$0x630]  }
0x48: {  	v8 =	vld [tilespmem:$0x440]  }
0x49: {  	v56 =	vld [tilespmem:$0x640]  }
0x4a: {  	v57 =	vld [tilespmem:$0x450]  }
0x4b: {  	v10 =	vld [tilespmem:$0x650]  }
0x4c: {  	v62 =	vld [tilespmem:$0x470];
	v1 =	vsub.f32 v1, v2  }
0x4d: {  	v11 =	vld [tilespmem:$0x670];
	v3 =	vsub.f32 v3, v4  }
0x4e: {  	v5 =	vsub.f32 v5, v6;
	v1 =	vmul.f32 $2.878231460e-03, v1  }
0x4f: {  	v2 =	vsub.f32 v55, v7;
	v3 =	vmul.f32 $2.878231460e-03, v3  }
0x50: {  	v4 =	vsub.f32 v8, v56;
	v5 =	vmul.f32 $2.878231460e-03, v5;
	v1 =	vadd.f32 v1, v0  }
0x51: {  	v6 =	vsub.f32 v57, v10;
	v2 =	vmul.f32 $2.878231460e-03, v2;
	v3 =	vadd.f32 v3, v0  }
0x52: {  	v16 =	vsub.f32 v62, v11;
	v4 =	vmul.f32 $2.878231460e-03, v4;
	v59 =	vadd.f32 v5, v0;
	[tilespmem:$0x880] =	vst v1  }
0x53: {  	v58 =	vld [tilespmem:$0x460];
	v12 =	vmul.f32 $2.878231460e-03, v6;
	v2 =	vadd.f32 v2, v0;
	[tilespmem:$0x890] =	vst v3  }
0x54: {  	v60 =	vld [tilespmem:$0x660];
	v19 =	vmul.f32 $2.878231460e-03, v16;
	v8 =	vadd.f32 v4, v0;
	[tilespmem:$0x8A0] =	vst v59  }
0x55: {  	v14 =	vadd.f32 v12, v0;
	[tilespmem:$0x8B0] =	vst v2  }
0x56: {  	v21 =	vadd.f32 v19, v0;
	[tilespmem:$0x8C0] =	vst v8  }
0x57: {  	v9 =	vsub.f32 $0.0e+00, v1;
	[tilespmem:$0x8D0] =	vst v14  }
0x58: {  	v61 =	vsub.f32 $0.0e+00, v3;
	[tilespmem:$0x8F0] =	vst v21  }
0x59: {  	v5 =	vsub.f32 v58, v60;
	v63 =	vsub.f32 $0.0e+00, v59;
	[tilespmem:$0xA80] =	vst v9  }
0x5a: {  	v10 =	vsub.f32 $0.0e+00, v2;
	[tilespmem:$0xA90] =	vst v61  }
0x5b: {  	v13 =	vsub.f32 $0.0e+00, v8;
	v15 =	vmul.f32 $2.878231460e-03, v5;
	[tilespmem:$0xAA0] =	vst v63  }
0x5c: {  	v17 =	vsub.f32 $0.0e+00, v14;
	[tilespmem:$0xAB0] =	vst v10  }
0x5d: {  	v22 =	vsub.f32 $0.0e+00, v21;
	[tilespmem:$0xAC0] =	vst v13;
	v18 =	vadd.f32 v15, v0  }
0x5e: {  	[tilespmem:$0xAD0] =	vst v17  }
0x5f: {  	[tilespmem:$0xAF0] =	vst v22;
	v20 =	vsub.f32 $0.0e+00, v18  }
0x60: {  	[tilespmem:$0x8E0] =	vst v18  }
0x61: {  	s12 =	rddreg [dreg:$0x7];
	[tilespmem:$0xAE0] =	vst v20  }
0x62: {  	[hbm4b:s12+s3] =	stream.linear.scatter [tilespmem:s20], [sflag:$0x8], $0x80, $0x38;
	[tilespmem:$0xC80] =	vst v63  }
0x63: {  	s13 =	rddreg [dreg:$0x8]  }
0x64: {  	[hbm4b:s13+s3] =	stream.linear.scatter [tilespmem:s21], [sflag:$0x8], $0x80, $0x38;
	[tilespmem:$0xC80] =	vst v63  }
0x65: {  	_ =	swait.ge [sflag:s22], $0x80  }
0x66: {  	[sflag:s22] =	ssyncset.done $0x0  }
0x67: {  	[sflag:s22] =	ssyncadd.s32 $0xFFFFFF80  }
0x68: {  	_ =	swait.ge [sflag:s22], $0x80  }
0x69: {  	[sflag:s22] =	ssyncset.done $0x0  }
0x6a: {  	[sflag:s22] =	ssyncadd.s32 $0xFFFFFF80  }
0x6b: {  	v23 =	vld [tilespmem:$0x480]  }
0x6c: {  	v24 =	vld [tilespmem:$0x680]  }
0x6d: {  	v25 =	vld [tilespmem:$0x490]  }
0x6e: {  	v26 =	vld [tilespmem:$0x690]  }
0x6f: {  	v27 =	vld [tilespmem:$0x4A0]  }
0x70: {  	v28 =	vld [tilespmem:$0x6A0]  }
0x71: {  	v29 =	vld [tilespmem:$0x4B0]  }
0x72: {  	v30 =	vld [tilespmem:$0x6B0]  }
0x73: {  	v31 =	vld [tilespmem:$0x4C0]  }
0x74: {  	v32 =	vld [tilespmem:$0x6C0]  }
0x75: {  	v33 =	vld [tilespmem:$0x4D0]  }
0x76: {  	v35 =	vld [tilespmem:$0x6D0]  }
0x77: {  	v40 =	vld [tilespmem:$0x4F0];
	v1 =	vsub.f32 v23, v24  }
0x78: {  	v42 =	vld [tilespmem:$0x6F0];
	v3 =	vsub.f32 v25, v26  }
0x79: {  	v5 =	vsub.f32 v27, v28;
	v1 =	vmul.f32 $2.878231460e-03, v1  }
0x7a: {  	v2 =	vsub.f32 v29, v30;
	v3 =	vmul.f32 $2.878231460e-03, v3  }
0x7b: {  	v4 =	vsub.f32 v31, v32;
	v5 =	vmul.f32 $2.878231460e-03, v5;
	v1 =	vadd.f32 v1, v0  }
0x7c: {  	v6 =	vsub.f32 v33, v35;
	v2 =	vmul.f32 $2.878231460e-03, v2;
	v3 =	vadd.f32 v3, v0  }
0x7d: {  	v49 =	vsub.f32 v40, v42;
	v4 =	vmul.f32 $2.878231460e-03, v4;
	v37 =	vadd.f32 v5, v0;
	[tilespmem:$0x900] =	vst v1  }
0x7e: {  	v36 =	vld [tilespmem:$0x4E0];
	v45 =	vmul.f32 $2.878231460e-03, v6;
	v2 =	vadd.f32 v2, v0;
	[tilespmem:$0x910] =	vst v3  }
0x7f: {  	v38 =	vld [tilespmem:$0x6E0];
	v52 =	vmul.f32 $2.878231460e-03, v49;
	v43 =	vadd.f32 v4, v0;
	[tilespmem:$0x920] =	vst v37  }
0x80: {  	v47 =	vadd.f32 v45, v0;
	[tilespmem:$0x930] =	vst v2  }
0x81: {  	v54 =	vadd.f32 v52, v0;
	[tilespmem:$0x940] =	vst v43  }
0x82: {  	v34 =	vsub.f32 $0.0e+00, v1;
	[tilespmem:$0x950] =	vst v47  }
0x83: {  	v39 =	vsub.f32 $0.0e+00, v3;
	[tilespmem:$0x970] =	vst v54  }
0x84: {  	v5 =	vsub.f32 v36, v38;
	v41 =	vsub.f32 $0.0e+00, v37;
	[tilespmem:$0xB00] =	vst v34  }
0x85: {  	v44 =	vsub.f32 $0.0e+00, v2;
	[tilespmem:$0xB10] =	vst v39  }
0x86: {  	v46 =	vsub.f32 $0.0e+00, v43;
	v48 =	vmul.f32 $2.878231460e-03, v5;
	[tilespmem:$0xB20] =	vst v41  }
0x87: {  	v50 =	vsub.f32 $0.0e+00, v47;
	[tilespmem:$0xB30] =	vst v44  }
0x88: {  	v55 =	vsub.f32 $0.0e+00, v54;
	[tilespmem:$0xB40] =	vst v46;
	v51 =	vadd.f32 v48, v0  }
0x89: {  	[tilespmem:$0xB50] =	vst v50  }
0x8a: {  	[tilespmem:$0xB70] =	vst v55;
	v53 =	vsub.f32 $0.0e+00, v51  }
0x8b: {  	[tilespmem:$0x960] =	vst v51  }
0x8c: {  	s12 =	rddreg [dreg:$0x9];
	[tilespmem:$0xB60] =	vst v53  }
0x8d: {  	[hbm4b:s12+s3] =	stream.linear.scatter [tilespmem:s23], [sflag:$0x8], $0x80, $0x38;
	[tilespmem:$0xC80] =	vst v63  }
0x8e: {  	s13 =	rddreg [dreg:$0xa]  }
0x8f: {  	[hbm4b:s13+s3] =	stream.linear.scatter [tilespmem:s24], [sflag:$0x8], $0x80, $0x38;
	[tilespmem:$0xC80] =	vst v63  }
0x90: {  	_ =	swait.ge [sflag:s25], $0x80  }
0x91: {  	[sflag:s25] =	ssyncset.done $0x0  }
0x92: {  	[sflag:s25] =	ssyncadd.s32 $0xFFFFFF80  }
0x93: {  	_ =	swait.ge [sflag:s25], $0x80  }
0x94: {  	[sflag:s25] =	ssyncset.done $0x0  }
0x95: {  	[sflag:s25] =	ssyncadd.s32 $0xFFFFFF80  }
0x96: {  	v56 =	vld [tilespmem:$0x500]  }
0x97: {  	v57 =	vld [tilespmem:$0x700]  }
0x98: {  	v58 =	vld [tilespmem:$0x510]  }
0x99: {  	v59 =	vld [tilespmem:$0x710]  }
0x9a: {  	v60 =	vld [tilespmem:$0x520]  }
0x9b: {  	v61 =	vld [tilespmem:$0x720]  }
0x9c: {  	v62 =	vld [tilespmem:$0x530]  }
0x9d: {  	v63 =	vld [tilespmem:$0x730]  }
0x9e: {  	v12 =	vld [tilespmem:$0x540]  }
0x9f: {  	v13 =	vld [tilespmem:$0x740]  }
0xa0: {  	v14 =	vld [tilespmem:$0x550]  }
0xa1: {  	v16 =	vld [tilespmem:$0x750]  }
0xa2: {  	v21 =	vld [tilespmem:$0x570];
	v1 =	vsub.f32 v56, v57  }
0xa3: {  	v23 =	vld [tilespmem:$0x770];
	v3 =	vsub.f32 v58, v59  }
0xa4: {  	v5 =	vsub.f32 v60, v61;
	v1 =	vmul.f32 $2.878231460e-03, v1  }
0xa5: {  	v2 =	vsub.f32 v62, v63;
	v3 =	vmul.f32 $2.878231460e-03, v3  }
0xa6: {  	v4 =	vsub.f32 v12, v13;
	v5 =	vmul.f32 $2.878231460e-03, v5;
	v1 =	vadd.f32 v1, v0  }
0xa7: {  	v6 =	vsub.f32 v14, v16;
	v2 =	vmul.f32 $2.878231460e-03, v2;
	v3 =	vadd.f32 v3, v0  }
0xa8: {  	v30 =	vsub.f32 v21, v23;
	v4 =	vmul.f32 $2.878231460e-03, v4;
	v18 =	vadd.f32 v5, v0;
	[tilespmem:$0x980] =	vst v1  }
0xa9: {  	v17 =	vld [tilespmem:$0x560];
	v26 =	vmul.f32 $2.878231460e-03, v6;
	v2 =	vadd.f32 v2, v0;
	[tilespmem:$0x990] =	vst v3  }
0xaa: {  	v19 =	vld [tilespmem:$0x760];
	v33 =	vmul.f32 $2.878231460e-03, v30;
	v24 =	vadd.f32 v4, v0;
	[tilespmem:$0x9A0] =	vst v18  }
0xab: {  	v28 =	vadd.f32 v26, v0;
	[tilespmem:$0x9B0] =	vst v2  }
0xac: {  	v35 =	vadd.f32 v33, v0;
	[tilespmem:$0x9C0] =	vst v24  }
0xad: {  	v15 =	vsub.f32 $0.0e+00, v1;
	[tilespmem:$0x9D0] =	vst v28  }
0xae: {  	v20 =	vsub.f32 $0.0e+00, v3;
	[tilespmem:$0x9F0] =	vst v35  }
0xaf: {  	v5 =	vsub.f32 v17, v19;
	v22 =	vsub.f32 $0.0e+00, v18;
	[tilespmem:$0xB80] =	vst v15  }
0xb0: {  	v25 =	vsub.f32 $0.0e+00, v2;
	[tilespmem:$0xB90] =	vst v20  }
0xb1: {  	v27 =	vsub.f32 $0.0e+00, v24;
	v29 =	vmul.f32 $2.878231460e-03, v5;
	[tilespmem:$0xBA0] =	vst v22  }
0xb2: {  	v31 =	vsub.f32 $0.0e+00, v28;
	[tilespmem:$0xBB0] =	vst v25  }
0xb3: {  	v36 =	vsub.f32 $0.0e+00, v35;
	[tilespmem:$0xBC0] =	vst v27;
	v32 =	vadd.f32 v29, v0  }
0xb4: {  	[tilespmem:$0xBD0] =	vst v31  }
0xb5: {  	[tilespmem:$0xBF0] =	vst v36;
	v34 =	vsub.f32 $0.0e+00, v32  }
0xb6: {  	[tilespmem:$0x9E0] =	vst v32  }
0xb7: {  	s12 =	rddreg [dreg:$0xb];
	[tilespmem:$0xBE0] =	vst v34  }
0xb8: {  	[hbm4b:s12+s3] =	stream.linear.scatter [tilespmem:s26], [sflag:$0x8], $0x80, $0x38;
	[tilespmem:$0xC80] =	vst v63  }
0xb9: {  	s13 =	rddreg [dreg:$0xc]  }
0xba: {  	[hbm4b:s13+s3] =	stream.linear.scatter [tilespmem:s28], [sflag:$0x8], $0x80, $0x38;
	[tilespmem:$0xC80] =	vst v63  }
0xbb: {  	_ =	swait.ge [sflag:s29], $0x80  }
0xbc: {  	[sflag:s29] =	ssyncset.done $0x0  }
0xbd: {  	[sflag:s29] =	ssyncadd.s32 $0xFFFFFF80  }
0xbe: {  	_ =	swait.ge [sflag:s29], $0x80  }
0xbf: {  	[sflag:s29] =	ssyncset.done $0x0  }
0xc0: {  	[sflag:s29] =	ssyncadd.s32 $0xFFFFFF80  }
0xc1: {  	v37 =	vld [tilespmem:$0x580]  }
0xc2: {  	v38 =	vld [tilespmem:$0x780]  }
0xc3: {  	v39 =	vld [tilespmem:$0x590]  }
0xc4: {  	v40 =	vld [tilespmem:$0x790]  }
0xc5: {  	v41 =	vld [tilespmem:$0x5A0]  }
0xc6: {  	v42 =	vld [tilespmem:$0x7A0]  }
0xc7: {  	v43 =	vld [tilespmem:$0x5B0]  }
0xc8: {  	v44 =	vld [tilespmem:$0x7B0]  }
0xc9: {  	v45 =	vld [tilespmem:$0x5C0]  }
0xca: {  	v46 =	vld [tilespmem:$0x7C0]  }
0xcb: {  	v1 =	vsub.f32 v37, v38  }
0xcc: {  	v3 =	vsub.f32 v39, v40  }
0xcd: {  	v47 =	vld [tilespmem:$0x5D0];
	v5 =	vsub.f32 v41, v42;
	v1 =	vmul.f32 $2.878231460e-03, v1  }
0xce: {  	v48 =	vld [tilespmem:$0x7D0];
	v2 =	vsub.f32 v43, v44;
	v3 =	vmul.f32 $2.878231460e-03, v3  }
0xcf: {  	v49 =	vld [tilespmem:$0x5E0];
	v4 =	vsub.f32 v45, v46;
	v5 =	vmul.f32 $2.878231460e-03, v5;
	v1 =	vadd.f32 v1, v0  }
0xd0: {  	v51 =	vld [tilespmem:$0x7E0];
	v2 =	vmul.f32 $2.878231460e-03, v2;
	v3 =	vadd.f32 v3, v0  }
0xd1: {  	v12 =	vld [tilespmem:$0x5F0];
	v4 =	vmul.f32 $2.878231460e-03, v4;
	v5 =	vadd.f32 v5, v0;
	[tilespmem:$0xA00] =	vst v1  }
0xd2: {  	v53 =	vld [tilespmem:$0x7F0];
	v2 =	vadd.f32 v2, v0;
	[tilespmem:$0xA10] =	vst v3  }
0xd3: {  	v4 =	vadd.f32 v4, v0;
	[tilespmem:$0xA20] =	vst v5  }
0xd4: {  	v50 =	vsub.f32 $0.0e+00, v1;
	[tilespmem:$0xA30] =	vst v2  }
0xd5: {  	v54 =	vsub.f32 v47, v48;
	v52 =	vsub.f32 $0.0e+00, v3;
	[tilespmem:$0xA40] =	vst v4  }
0xd6: {  	v56 =	vsub.f32 v49, v51;
	v55 =	vsub.f32 $0.0e+00, v5;
	[tilespmem:$0xC00] =	vst v50  }
0xd7: {  	v58 =	vsub.f32 v12, v53;
	v57 =	vsub.f32 $0.0e+00, v2;
	v3 =	vmul.f32 $2.878231460e-03, v54;
	[tilespmem:$0xC10] =	vst v52  }
0xd8: {  	v59 =	vsub.f32 $0.0e+00, v4;
	v5 =	vmul.f32 $2.878231460e-03, v56;
	[tilespmem:$0xC20] =	vst v55  }
0xd9: {  	v2 =	vmul.f32 $2.878231460e-03, v58;
	[tilespmem:$0xC30] =	vst v57;
	v3 =	vadd.f32 v3, v0  }
0xda: {  	[tilespmem:$0xC40] =	vst v59;
	v61 =	vadd.f32 v5, v0  }
0xdb: {  	v0 =	vadd.f32 v2, v0;
	[tilespmem:$0xA50] =	vst v3  }
0xdc: {  	v60 =	vsub.f32 $0.0e+00, v3;
	[tilespmem:$0xA60] =	vst v61  }
0xdd: {  	v62 =	vsub.f32 $0.0e+00, v61;
	[tilespmem:$0xA70] =	vst v0  }
0xde: {  	v63 =	vsub.f32 $0.0e+00, v0;
	[tilespmem:$0xC50] =	vst v60  }
0xdf: {  	[tilespmem:$0xC60] =	vst v62  }
0xe0: {  	s12 =	rddreg [dreg:$0xd];
	[tilespmem:$0xC70] =	vst v63  }
0xe1: {  	[hbm4b:s12+s3] =	stream.linear.scatter [tilespmem:s30], [sflag:$0x8], $0x80, $0x38;
	[tilespmem:$0xC80] =	vst v63  }
0xe2: {  	s13 =	rddreg [dreg:$0xe]  }
0xe3: {  	[hbm4b:s13+s3] =	stream.linear.scatter [tilespmem:s31], [sflag:$0x8], $0x80, $0x38;
	[tilespmem:$0xC80] =	vst v63  }
0xe4: {  	_ =	swait.ge [sflag:s2], $0x80  }
0xe5: {  	[sflag:s2] =	ssyncset.done $0x0  }
0xe6: {  	[sflag:s2] =	ssyncadd.s32 $0xFFFFFF80  }
0xe7: {  	_ =	swait.ge [sflag:s2], $0x80  }
0xe8: {  	[sflag:s2] =	ssyncset.done $0x0  }
0xe9: {  	[sflag:s2] =	ssyncadd.s32 $0xFFFFFF80  }
0xea: {  	_ =	swait.ge [sflag:s2], $0x80  }
0xeb: {  	[sflag:s2] =	ssyncset.done $0x0  }
0xec: {  	[sflag:s2] =	ssyncadd.s32 $0xFFFFFF80  }
0xed: {  	_ =	swait.ge [sflag:s2], $0x80  }
0xee: {  	[sflag:s2] =	ssyncset.done $0x0  }
0xef: {  	[sflag:s2] =	ssyncadd.s32 $0xFFFFFF80  }
0xf0: {  	_ =	swait.ge [sflag:s2], $0x80  }
0xf1: {  	[sflag:s2] =	ssyncset.done $0x0  }
0xf2: {  	[sflag:s2] =	ssyncadd.s32 $0xFFFFFF80  }
0xf3: {  	_ =	swait.ge [sflag:s2], $0x80  }
0xf4: {  	[sflag:s2] =	ssyncset.done $0x0  }
0xf5: {  	[sflag:s2] =	ssyncadd.s32 $0xFFFFFF80  }
0xf6: {  	p0 =	sne.s32 s5, $0x1;
	_ =	swait.ge [sflag:s2], $0x80  }
.Ltmp0:
0xf7: {  	[sflag:s2] =	ssyncset.done $0x0;
	(pc) =	sbr.rel @p0 .LBB2_1-.Ltmp0, $4  }
0xf8: {  	[sflag:s2] =	ssyncadd.s32 $0xFFFFFF80  }
0xf9: {  	_ =	swait.ge [sflag:s2], $0x80  }
0xfa: {  	[sflag:s2] =	ssyncset.done $0x0  }
0xfb: {  	s5 =	sadd.s32 $0xFFFFFFFF, s5;
	[sflag:s2] =	ssyncadd.s32 $0xFFFFFF80  }
0xfc: {  	_ =	sfence.sel $0x180000  }
0xfd: {  	[bflag:$0x0] =	sbarrier.arrive $0xFFFF  }
0xfe: {  	_ =	strace $0x90000047  }
0xff: {  	s0 =	stileid.u32;
	[bflag:$0x2] =	sbarrier.arrive $0xFFFF  }
0x100: {  	p0 =	sne.s32 s0, $0x0;
	s0 =	rddreg [dreg:$0x4]  }
0x101: {  	s0 =	sadd.s32 @!p0 $0x100000, s0  }
0x102: {  	[sflag:s0] =	ssyncadd.tile.s32 @!p0 $0x1;
	_ =	shalt  }
.Lfunc_end2:
_tile_overlayer_lowered:
.L_overlay_start_2:
0x103: {  	(tag) =	ssettag $0x2  }
0x104: {  	s0 =	rddreg [dreg:$0x0];
	s2 =	stileid.u32  }
0x105: {  	s1 =	rddreg [dreg:$0x1];
	p0 =	sne.s32 s2, $0x0  }
0x106: {  	s3 =	rddreg [dreg:$0x2];
	[bflag:$0x3] =	sbarrier.arrive $0xFFFF;
	s2 =	simm.s32 @!p0 $0x1C09  }
0x107: {  	[timem:s3], [sflag:s2] =	dma.local @!p0 [hbm:s0], s1  }
0x108: {  	s0 =	simm.s32 @!p0 $0x9  }
0x109: {  	_ =	swait.ge @!p0 [sflag:s0], s1  }
0x10a: {  	s1 =	ssub.s32 @!p0 $0x0, s1;
	[sflag:s0] =	ssyncset.done @!p0 $0x0  }
0x10b: {  	[sflag:s0] =	ssyncadd.s32 @!p0 s1  }
0x10c: {  	[bflag:$0x3] =	sbarrier.arrive $0xFFFF  }
0x10d: {  	_ =	shalt  }

</sc_bundles>
